<compile_context>
chip_gen: v7x
topology: tpu7x:2x2x1
jax: 0.10.2.dev20260603
libtpu: 0.0.44.dev20260713+nightly
codegen_flags: <defaults>
</compile_context>

<pallas_src>
import functools

import jax
import jax.numpy as jnp
from jax import lax
from jax.experimental import pallas as pl
from jax.experimental.pallas import tpu as pltpu
from jax.experimental.pallas import tpu_sc as plsc

_CH = 128


@functools.lru_cache(maxsize=None)
def _make_gather(V, D, BW, BC):
    info = plsc.get_sparse_core_info()
    NC, NS = info.num_cores, info.num_subcores
    NW = NC * NS

    WPW = BW // NW
    CPW = BC // NW
    w_ch = WPW // _CH
    c_ch = CPW // _CH
    K = 5
    assert WPW * NW == BW and CPW * NW == BC
    assert w_ch == 4 and c_ch % K == 0

    mesh = plsc.VectorSubcoreMesh(core_axis_name="c", subcore_axis_name="s")

    @functools.partial(
        pl.kernel,
        mesh=mesh,
        out_type=[
            jax.ShapeDtypeStruct((BW, D), jnp.float32),
            jax.ShapeDtypeStruct((BC, D), jnp.float32),
        ],
        scratch_types=[
            pltpu.VMEM((WPW,), jnp.int32),
            pltpu.VMEM((CPW,), jnp.int32),
            pltpu.VMEM((_CH, D), jnp.float32),
            pltpu.VMEM((_CH, D), jnp.float32),
            pltpu.VMEM((_CH, D), jnp.float32),
            pltpu.VMEM((_CH, D), jnp.float32),
            pltpu.VMEM((_CH, D), jnp.float32),
            pltpu.VMEM((_CH, D), jnp.float32),
            pltpu.VMEM((_CH, D), jnp.float32),
            pltpu.SemaphoreType.DMA,
            pltpu.SemaphoreType.DMA,
            pltpu.SemaphoreType.DMA,
            pltpu.SemaphoreType.DMA,
            pltpu.SemaphoreType.DMA,
            pltpu.SemaphoreType.DMA,
            pltpu.SemaphoreType.DMA,
            pltpu.SemaphoreType.DMA,
            pltpu.SemaphoreType.DMA,
            pltpu.SemaphoreType.DMA,
            pltpu.SemaphoreType.DMA,
            pltpu.SemaphoreType.DMA,
            pltpu.SemaphoreType.DMA,
            pltpu.SemaphoreType.DMA,
        ],
    )
    def gather_kernel(w_tab, c_tab, widx_hbm, cidx_hbm, w_out, c_out,
                      widx_v, cidx_v, r0, r1, r2, r3, r4, u0, u1,
                      g0, g1, g2, g3, g4, s0, s1, s2, s3, s4,
                      wg0, wg1, ws0, ws1):
        wid = lax.axis_index("s") * NC + lax.axis_index("c")
        bufs = (r0, r1, r2, r3, r4)
        gsems = (g0, g1, g2, g3, g4)
        ssems = (s0, s1, s2, s3, s4)
        wbufs = (u0, u1)
        wgsems = (wg0, wg1)
        wssems = (ws0, ws1)

        pltpu.sync_copy(widx_hbm.at[pl.ds(wid * WPW, WPW)], widx_v)
        pltpu.sync_copy(cidx_hbm.at[pl.ds(wid * CPW, CPW)], cidx_v)

        cbase = wid * CPW
        wbase = wid * WPW

        def c_ig(j, b):
            pltpu.async_copy(c_tab.at[cidx_v.at[pl.ds(j * _CH, _CH)]], bufs[b], gsems[b])

        def c_wg(b):
            pltpu.make_async_copy(c_tab.at[cidx_v.at[pl.ds(0, _CH)]], bufs[b], gsems[b]).wait()

        def c_is(j, b):
            pltpu.async_copy(bufs[b], c_out.at[pl.ds(cbase + j * _CH, _CH)], ssems[b])

        def c_ws(b):
            pltpu.make_async_copy(bufs[b], c_out.at[pl.ds(cbase, _CH)], ssems[b]).wait()

        def w_ig(j, b):
            pltpu.async_copy(w_tab.at[widx_v.at[pl.ds(j * _CH, _CH)]], wbufs[b], wgsems[b])

        def w_wg(b):
            pltpu.make_async_copy(w_tab.at[widx_v.at[pl.ds(0, _CH)]], wbufs[b], wgsems[b]).wait()

        def w_is(j, b):
            pltpu.async_copy(wbufs[b], w_out.at[pl.ds(wbase + j * _CH, _CH)], wssems[b])

        def w_ws(b):
            pltpu.make_async_copy(wbufs[b], w_out.at[pl.ds(wbase, _CH)], wssems[b]).wait()

        for b in range(K - 1):
            c_ig(b, b)

        w_ig(0, 0)
        w_ig(1, 1)
        w_wg(0)
        w_is(0, 0)
        w_wg(1)
        w_is(1, 1)
        w_ws(0)
        w_ig(2, 0)
        w_ws(1)
        w_ig(3, 1)
        w_wg(0)
        w_is(2, 0)
        w_wg(1)
        w_is(3, 1)
        w_ws(0)
        w_ws(1)

        P = c_ch // K

        def body(p, carry):
            j0 = K * p
            for b in range(K):
                j = j0 + b
                c_wg(b)
                c_is(j, b)
                if b == 0:
                    @pl.when(p >= 1)
                    def _():
                        c_ws(K - 1)
                    c_ig(j + K - 1, K - 1)
                else:
                    @pl.when(p + 1 < P)
                    def _():
                        c_ws(b - 1)
                        c_ig(j + K - 1, b - 1)
            return carry

        lax.fori_loop(0, P, body, 0)
        for b in range(K):
            c_ws(b)

    return gather_kernel


def kernel(words, contexts, w_table, c_table):
    B, = words.shape
    _, L = contexts.shape
    V, D = w_table.shape

    widx = words.astype(jnp.int32)
    cidx = contexts.astype(jnp.int32).T.reshape(B * L)

    w_out, c2d = _make_gather(V, D, B, B * L)(w_table, c_table, widx, cidx)
    return w_out, c2d.reshape(L, B, D).transpose(1, 0, 2)

# --- scband reference (transcript-rebuilt; emitter-appended) ---
"""Pipeline reference for scband-sgnmodel-50697793962638 (READ-ONLY COPY).

The authoritative reference and input builder live on the scoring server;
editing this copy changes nothing except your own understanding.
"""

import jax, jax.numpy as jnp
import numpy as np

VOCAB = 100000
DIM = 128
B = 16384
L = 20

def setup_inputs(seed: int = 0) -> dict:
    key = jax.random.key(seed)
    k1, k2, k3, k4 = jax.random.split(key, 4)
    words = jax.random.randint(k1, (B,), 0, VOCAB)
    contexts = jax.random.randint(k2, (B, L), 0, VOCAB)
    w_table = jax.random.normal(k3, (VOCAB, DIM), dtype=jnp.float32) * 0.02
    c_table = jax.random.normal(k4, (VOCAB, DIM), dtype=jnp.float32) * 0.02
    return {"words": words, "contexts": contexts, "w_table": w_table, "c_table": c_table}

def reference(words, contexts, w_table, c_table):
    # forward_w: center-word embedding lookup
    w_embeds = jnp.take(w_table, words, axis=0)          # [B, DIM]
    # forward_c: context embedding lookup
    c_embeds = jnp.take(c_table, contexts, axis=0)       # [B, L, DIM]
    return (w_embeds, c_embeds)

if __name__ == "__main__":
    import jax
    _d = setup_inputs()
    print(jax.jit(kernel)(*tuple(_d.values())))

</pallas_src>

<mosaic_0001>
#map = affine_map<(d0, d1) -> (0, 0)>
#map1 = affine_map<(d0, d1) -> (0)>
module attributes {stable_mosaic.version = 14 : i64} {
  func.func @gather_kernel(%arg0: i32, %arg1: i32, %arg2: memref<100000x128xf32, #tpu.memory_space<hbm>>, %arg3: memref<100000x128xf32, #tpu.memory_space<hbm>>, %arg4: memref<16384xi32, #tpu.memory_space<hbm>>, %arg5: memref<327680xi32, #tpu.memory_space<hbm>>, %arg6: memref<16384x128xf32, #tpu.memory_space<hbm>>, %arg7: memref<327680x128xf32, #tpu.memory_space<hbm>>, %arg8: memref<512xi32, #tpu.memory_space<vmem>>, %arg9: memref<10240xi32, #tpu.memory_space<vmem>>, %arg10: memref<128x128xf32, #tpu.memory_space<vmem>>, %arg11: memref<128x128xf32, #tpu.memory_space<vmem>>, %arg12: memref<128x128xf32, #tpu.memory_space<vmem>>, %arg13: memref<128x128xf32, #tpu.memory_space<vmem>>, %arg14: memref<128x128xf32, #tpu.memory_space<vmem>>, %arg15: memref<128x128xf32, #tpu.memory_space<vmem>>, %arg16: memref<128x128xf32, #tpu.memory_space<vmem>>, %arg17: memref<!tpu.dma_semaphore, #tpu.memory_space<semaphore_mem>>, %arg18: memref<!tpu.dma_semaphore, #tpu.memory_space<semaphore_mem>>, %arg19: memref<!tpu.dma_semaphore, #tpu.memory_space<semaphore_mem>>, %arg20: memref<!tpu.dma_semaphore, #tpu.memory_space<semaphore_mem>>, %arg21: memref<!tpu.dma_semaphore, #tpu.memory_space<semaphore_mem>>, %arg22: memref<!tpu.dma_semaphore, #tpu.memory_space<semaphore_mem>>, %arg23: memref<!tpu.dma_semaphore, #tpu.memory_space<semaphore_mem>>, %arg24: memref<!tpu.dma_semaphore, #tpu.memory_space<semaphore_mem>>, %arg25: memref<!tpu.dma_semaphore, #tpu.memory_space<semaphore_mem>>, %arg26: memref<!tpu.dma_semaphore, #tpu.memory_space<semaphore_mem>>, %arg27: memref<!tpu.dma_semaphore, #tpu.memory_space<semaphore_mem>>, %arg28: memref<!tpu.dma_semaphore, #tpu.memory_space<semaphore_mem>>, %arg29: memref<!tpu.dma_semaphore, #tpu.memory_space<semaphore_mem>>, %arg30: memref<!tpu.dma_semaphore, #tpu.memory_space<semaphore_mem>>) attributes {dimension_semantics = [#tpu.dimension_semantics<core_parallel>, #tpu.dimension_semantics<subcore_parallel>], iteration_bounds = array<i64: 2, 16>, scalar_prefetch = 0 : i64, scratch_operands = 23 : i64, tpu.core_type = #tpu.core_type<sc_vector_subcore>, window_params = [{transform_indices = #map}, {transform_indices = #map}, {transform_indices = #map1}, {transform_indices = #map1}, {transform_indices = #map}, {transform_indices = #map}]} {
    %mul3A = arith.constant 2 : i32
    %mul3A_0 = arith.muli %arg1, %mul3A : i32
    %add3A = arith.addi %mul3A_0, %arg0 : i32
    %mul3A_1 = arith.constant 512 : i32
    %mul3A_2 = arith.muli %add3A, %mul3A_1 : i32
    "tpu.region"() ({
      %run_scoped3A = tpu.sem_alloc : memref<!tpu.dma_semaphore, #tpu.memory_space<semaphore_mem>>
      %dma_start3A_132 = tpu.memref_slice %arg4[%mul3A_2] : memref<16384xi32, #tpu.memory_space<hbm>> -> memref<512xi32, #tpu.memory_space<hbm>>
      %dma_start3A_133 = tpu.memref_slice %arg4[%mul3A_2] : memref<16384xi32, #tpu.memory_space<hbm>> -> memref<512xi32, #tpu.memory_space<hbm>>
      tpu.enqueue_dma source(%dma_start3A_133 : memref<512xi32, #tpu.memory_space<hbm>>) target(%arg8 : memref<512xi32, #tpu.memory_space<vmem>>) target_semaphore(%run_scoped3A : memref<!tpu.dma_semaphore, #tpu.memory_space<semaphore_mem>>)
      %dma_wait3A_134 = tpu.memref_slice %arg4[%mul3A_2] : memref<16384xi32, #tpu.memory_space<hbm>> -> memref<512xi32, #tpu.memory_space<hbm>>
      %dma_wait3A_135 = tpu.memref_slice %arg4[%mul3A_2] : memref<16384xi32, #tpu.memory_space<hbm>> -> memref<512xi32, #tpu.memory_space<hbm>>
      tpu.wait_dma2 semaphore(%run_scoped3A : memref<!tpu.dma_semaphore, #tpu.memory_space<semaphore_mem>>) src(%dma_wait3A_135 : memref<512xi32, #tpu.memory_space<hbm>>) dst(%arg8 : memref<512xi32, #tpu.memory_space<vmem>>)
      tpu.yield
    }) : () -> ()
    %mul3A_3 = arith.constant 10240 : i32
    %mul3A_4 = arith.muli %add3A, %mul3A_3 : i32
    "tpu.region"() ({
      %run_scoped3A = tpu.sem_alloc : memref<!tpu.dma_semaphore, #tpu.memory_space<semaphore_mem>>
      %dma_start3A_132 = tpu.memref_slice %arg5[%mul3A_4] : memref<327680xi32, #tpu.memory_space<hbm>> -> memref<10240xi32, #tpu.memory_space<hbm>>
      %dma_start3A_133 = tpu.memref_slice %arg5[%mul3A_4] : memref<327680xi32, #tpu.memory_space<hbm>> -> memref<10240xi32, #tpu.memory_space<hbm>>
      tpu.enqueue_dma source(%dma_start3A_133 : memref<10240xi32, #tpu.memory_space<hbm>>) target(%arg9 : memref<10240xi32, #tpu.memory_space<vmem>>) target_semaphore(%run_scoped3A : memref<!tpu.dma_semaphore, #tpu.memory_space<semaphore_mem>>)
      %dma_wait3A_134 = tpu.memref_slice %arg5[%mul3A_4] : memref<327680xi32, #tpu.memory_space<hbm>> -> memref<10240xi32, #tpu.memory_space<hbm>>
      %dma_wait3A_135 = tpu.memref_slice %arg5[%mul3A_4] : memref<327680xi32, #tpu.memory_space<hbm>> -> memref<10240xi32, #tpu.memory_space<hbm>>
      tpu.wait_dma2 semaphore(%run_scoped3A : memref<!tpu.dma_semaphore, #tpu.memory_space<semaphore_mem>>) src(%dma_wait3A_135 : memref<10240xi32, #tpu.memory_space<hbm>>) dst(%arg9 : memref<10240xi32, #tpu.memory_space<vmem>>)
      tpu.yield
    }) : () -> ()
    %mul3A_5 = arith.constant 10240 : i32
    %mul3A_6 = arith.muli %add3A, %mul3A_5 : i32
    %mul3A_7 = arith.constant 512 : i32
    %mul3A_8 = arith.muli %add3A, %mul3A_7 : i32
    %dma_start3A = arith.constant 0 : i32
    %dma_start3A_9 = tpu.memref_slice %arg9[%dma_start3A] : memref<10240xi32, #tpu.memory_space<vmem>> -> memref<128xi32, #tpu.memory_space<vmem>>
    %dma_start3A_10 = arith.constant 0 : i32
    %dma_start3A_11 = arith.constant 0 : i32
    %dma_start3A_12 = tpu.memref_slice %arg3[%dma_start3A_10, %dma_start3A_11] : memref<100000x128xf32, #tpu.memory_space<hbm>> -> memref<100000x128xf32, #tpu.memory_space<hbm>>
    tpu.enqueue_indirect_dma source(%dma_start3A_12 : memref<100000x128xf32, #tpu.memory_space<hbm>>) target(%arg10 : memref<128x128xf32, #tpu.memory_space<vmem>>) offsets(%dma_start3A_9 : memref<128xi32, #tpu.memory_space<vmem>>) semaphore(%arg17 : memref<!tpu.dma_semaphore, #tpu.memory_space<semaphore_mem>>)
    %dma_start3A_13 = arith.constant 128 : i32
    %dma_start3A_14 = tpu.memref_slice %arg9[%dma_start3A_13] : memref<10240xi32, #tpu.memory_space<vmem>> -> memref<128xi32, #tpu.memory_space<vmem>>
    %dma_start3A_15 = arith.constant 0 : i32
    %dma_start3A_16 = arith.constant 0 : i32
    %dma_start3A_17 = tpu.memref_slice %arg3[%dma_start3A_15, %dma_start3A_16] : memref<100000x128xf32, #tpu.memory_space<hbm>> -> memref<100000x128xf32, #tpu.memory_space<hbm>>
    tpu.enqueue_indirect_dma source(%dma_start3A_17 : memref<100000x128xf32, #tpu.memory_space<hbm>>) target(%arg11 : memref<128x128xf32, #tpu.memory_space<vmem>>) offsets(%dma_start3A_14 : memref<128xi32, #tpu.memory_space<vmem>>) semaphore(%arg18 : memref<!tpu.dma_semaphore, #tpu.memory_space<semaphore_mem>>)
    %dma_start3A_18 = arith.constant 256 : i32
    %dma_start3A_19 = tpu.memref_slice %arg9[%dma_start3A_18] : memref<10240xi32, #tpu.memory_space<vmem>> -> memref<128xi32, #tpu.memory_space<vmem>>
    %dma_start3A_20 = arith.constant 0 : i32
    %dma_start3A_21 = arith.constant 0 : i32
    %dma_start3A_22 = tpu.memref_slice %arg3[%dma_start3A_20, %dma_start3A_21] : memref<100000x128xf32, #tpu.memory_space<hbm>> -> memref<100000x128xf32, #tpu.memory_space<hbm>>
    tpu.enqueue_indirect_dma source(%dma_start3A_22 : memref<100000x128xf32, #tpu.memory_space<hbm>>) target(%arg12 : memref<128x128xf32, #tpu.memory_space<vmem>>) offsets(%dma_start3A_19 : memref<128xi32, #tpu.memory_space<vmem>>) semaphore(%arg19 : memref<!tpu.dma_semaphore, #tpu.memory_space<semaphore_mem>>)
    %dma_start3A_23 = arith.constant 384 : i32
    %dma_start3A_24 = tpu.memref_slice %arg9[%dma_start3A_23] : memref<10240xi32, #tpu.memory_space<vmem>> -> memref<128xi32, #tpu.memory_space<vmem>>
    %dma_start3A_25 = arith.constant 0 : i32
    %dma_start3A_26 = arith.constant 0 : i32
    %dma_start3A_27 = tpu.memref_slice %arg3[%dma_start3A_25, %dma_start3A_26] : memref<100000x128xf32, #tpu.memory_space<hbm>> -> memref<100000x128xf32, #tpu.memory_space<hbm>>
    tpu.enqueue_indirect_dma source(%dma_start3A_27 : memref<100000x128xf32, #tpu.memory_space<hbm>>) target(%arg13 : memref<128x128xf32, #tpu.memory_space<vmem>>) offsets(%dma_start3A_24 : memref<128xi32, #tpu.memory_space<vmem>>) semaphore(%arg20 : memref<!tpu.dma_semaphore, #tpu.memory_space<semaphore_mem>>)
    %dma_start3A_28 = arith.constant 0 : i32
    %dma_start3A_29 = tpu.memref_slice %arg8[%dma_start3A_28] : memref<512xi32, #tpu.memory_space<vmem>> -> memref<128xi32, #tpu.memory_space<vmem>>
    %dma_start3A_30 = arith.constant 0 : i32
    %dma_start3A_31 = arith.constant 0 : i32
    %dma_start3A_32 = tpu.memref_slice %arg2[%dma_start3A_30, %dma_start3A_31] : memref<100000x128xf32, #tpu.memory_space<hbm>> -> memref<100000x128xf32, #tpu.memory_space<hbm>>
    tpu.enqueue_indirect_dma source(%dma_start3A_32 : memref<100000x128xf32, #tpu.memory_space<hbm>>) target(%arg15 : memref<128x128xf32, #tpu.memory_space<vmem>>) offsets(%dma_start3A_29 : memref<128xi32, #tpu.memory_space<vmem>>) semaphore(%arg27 : memref<!tpu.dma_semaphore, #tpu.memory_space<semaphore_mem>>)
    %dma_start3A_33 = arith.constant 128 : i32
    %dma_start3A_34 = tpu.memref_slice %arg8[%dma_start3A_33] : memref<512xi32, #tpu.memory_space<vmem>> -> memref<128xi32, #tpu.memory_space<vmem>>
    %dma_start3A_35 = arith.constant 0 : i32
    %dma_start3A_36 = arith.constant 0 : i32
    %dma_start3A_37 = tpu.memref_slice %arg2[%dma_start3A_35, %dma_start3A_36] : memref<100000x128xf32, #tpu.memory_space<hbm>> -> memref<100000x128xf32, #tpu.memory_space<hbm>>
    tpu.enqueue_indirect_dma source(%dma_start3A_37 : memref<100000x128xf32, #tpu.memory_space<hbm>>) target(%arg16 : memref<128x128xf32, #tpu.memory_space<vmem>>) offsets(%dma_start3A_34 : memref<128xi32, #tpu.memory_space<vmem>>) semaphore(%arg28 : memref<!tpu.dma_semaphore, #tpu.memory_space<semaphore_mem>>)
    %dma_wait3A = arith.constant 0 : i32
    %dma_wait3A_38 = tpu.memref_slice %arg8[%dma_wait3A] : memref<512xi32, #tpu.memory_space<vmem>> -> memref<128xi32, #tpu.memory_space<vmem>>
    %dma_wait3A_39 = arith.constant 0 : i32
    %dma_wait3A_40 = arith.constant 0 : i32
    %dma_wait3A_41 = tpu.memref_slice %arg2[%dma_wait3A_39, %dma_wait3A_40] : memref<100000x128xf32, #tpu.memory_space<hbm>> -> memref<100000x128xf32, #tpu.memory_space<hbm>>
    tpu.wait_indirect_dma semaphore(%arg27 : memref<!tpu.dma_semaphore, #tpu.memory_space<semaphore_mem>>) src(%dma_wait3A_41 : memref<100000x128xf32, #tpu.memory_space<hbm>>) dst(%arg15 : memref<128x128xf32, #tpu.memory_space<vmem>>)
    %add3A_42 = arith.constant 0 : i32
    %add3A_43 = arith.addi %mul3A_8, %add3A_42 : i32
    %dma_start3A_44 = arith.constant 0 : i32
    %dma_start3A_45 = tpu.memref_slice %arg6[%add3A_43, %dma_start3A_44] : memref<16384x128xf32, #tpu.memory_space<hbm>> -> memref<128x128xf32, #tpu.memory_space<hbm>>
    %dma_start3A_46 = arith.constant 0 : i32
    %dma_start3A_47 = tpu.memref_slice %arg6[%add3A_43, %dma_start3A_46] : memref<16384x128xf32, #tpu.memory_space<hbm>> -> memref<128x128xf32, #tpu.memory_space<hbm>>
    tpu.enqueue_dma source(%arg15 : memref<128x128xf32, #tpu.memory_space<vmem>>) target(%dma_start3A_47 : memref<128x128xf32, #tpu.memory_space<hbm>>) target_semaphore(%arg29 : memref<!tpu.dma_semaphore, #tpu.memory_space<semaphore_mem>>)
    %dma_wait3A_48 = arith.constant 0 : i32
    %dma_wait3A_49 = tpu.memref_slice %arg8[%dma_wait3A_48] : memref<512xi32, #tpu.memory_space<vmem>> -> memref<128xi32, #tpu.memory_space<vmem>>
    %dma_wait3A_50 = arith.constant 0 : i32
    %dma_wait3A_51 = arith.constant 0 : i32
    %dma_wait3A_52 = tpu.memref_slice %arg2[%dma_wait3A_50, %dma_wait3A_51] : memref<100000x128xf32, #tpu.memory_space<hbm>> -> memref<100000x128xf32, #tpu.memory_space<hbm>>
    tpu.wait_indirect_dma semaphore(%arg28 : memref<!tpu.dma_semaphore, #tpu.memory_space<semaphore_mem>>) src(%dma_wait3A_52 : memref<100000x128xf32, #tpu.memory_space<hbm>>) dst(%arg16 : memref<128x128xf32, #tpu.memory_space<vmem>>)
    %add3A_53 = arith.constant 128 : i32
    %add3A_54 = arith.addi %mul3A_8, %add3A_53 : i32
    %dma_start3A_55 = arith.constant 0 : i32
    %dma_start3A_56 = tpu.memref_slice %arg6[%add3A_54, %dma_start3A_55] : memref<16384x128xf32, #tpu.memory_space<hbm>> -> memref<128x128xf32, #tpu.memory_space<hbm>>
    %dma_start3A_57 = arith.constant 0 : i32
    %dma_start3A_58 = tpu.memref_slice %arg6[%add3A_54, %dma_start3A_57] : memref<16384x128xf32, #tpu.memory_space<hbm>> -> memref<128x128xf32, #tpu.memory_space<hbm>>
    tpu.enqueue_dma source(%arg16 : memref<128x128xf32, #tpu.memory_space<vmem>>) target(%dma_start3A_58 : memref<128x128xf32, #tpu.memory_space<hbm>>) target_semaphore(%arg30 : memref<!tpu.dma_semaphore, #tpu.memory_space<semaphore_mem>>)
    %dma_wait3A_59 = arith.constant 0 : i32
    %dma_wait3A_60 = tpu.memref_slice %arg6[%mul3A_8, %dma_wait3A_59] : memref<16384x128xf32, #tpu.memory_space<hbm>> -> memref<128x128xf32, #tpu.memory_space<hbm>>
    %dma_wait3A_61 = arith.constant 0 : i32
    %dma_wait3A_62 = tpu.memref_slice %arg6[%mul3A_8, %dma_wait3A_61] : memref<16384x128xf32, #tpu.memory_space<hbm>> -> memref<128x128xf32, #tpu.memory_space<hbm>>
    tpu.wait_dma2 semaphore(%arg29 : memref<!tpu.dma_semaphore, #tpu.memory_space<semaphore_mem>>) src(%arg15 : memref<128x128xf32, #tpu.memory_space<vmem>>) dst(%dma_wait3A_62 : memref<128x128xf32, #tpu.memory_space<hbm>>)
    %dma_start3A_63 = arith.constant 256 : i32
    %dma_start3A_64 = tpu.memref_slice %arg8[%dma_start3A_63] : memref<512xi32, #tpu.memory_space<vmem>> -> memref<128xi32, #tpu.memory_space<vmem>>
    %dma_start3A_65 = arith.constant 0 : i32
    %dma_start3A_66 = arith.constant 0 : i32
    %dma_start3A_67 = tpu.memref_slice %arg2[%dma_start3A_65, %dma_start3A_66] : memref<100000x128xf32, #tpu.memory_space<hbm>> -> memref<100000x128xf32, #tpu.memory_space<hbm>>
    tpu.enqueue_indirect_dma source(%dma_start3A_67 : memref<100000x128xf32, #tpu.memory_space<hbm>>) target(%arg15 : memref<128x128xf32, #tpu.memory_space<vmem>>) offsets(%dma_start3A_64 : memref<128xi32, #tpu.memory_space<vmem>>) semaphore(%arg27 : memref<!tpu.dma_semaphore, #tpu.memory_space<semaphore_mem>>)
    %dma_wait3A_68 = arith.constant 0 : i32
    %dma_wait3A_69 = tpu.memref_slice %arg6[%mul3A_8, %dma_wait3A_68] : memref<16384x128xf32, #tpu.memory_space<hbm>> -> memref<128x128xf32, #tpu.memory_space<hbm>>
    %dma_wait3A_70 = arith.constant 0 : i32
    %dma_wait3A_71 = tpu.memref_slice %arg6[%mul3A_8, %dma_wait3A_70] : memref<16384x128xf32, #tpu.memory_space<hbm>> -> memref<128x128xf32, #tpu.memory_space<hbm>>
    tpu.wait_dma2 semaphore(%arg30 : memref<!tpu.dma_semaphore, #tpu.memory_space<semaphore_mem>>) src(%arg16 : memref<128x128xf32, #tpu.memory_space<vmem>>) dst(%dma_wait3A_71 : memref<128x128xf32, #tpu.memory_space<hbm>>)
    %dma_start3A_72 = arith.constant 384 : i32
    %dma_start3A_73 = tpu.memref_slice %arg8[%dma_start3A_72] : memref<512xi32, #tpu.memory_space<vmem>> -> memref<128xi32, #tpu.memory_space<vmem>>
    %dma_start3A_74 = arith.constant 0 : i32
    %dma_start3A_75 = arith.constant 0 : i32
    %dma_start3A_76 = tpu.memref_slice %arg2[%dma_start3A_74, %dma_start3A_75] : memref<100000x128xf32, #tpu.memory_space<hbm>> -> memref<100000x128xf32, #tpu.memory_space<hbm>>
    tpu.enqueue_indirect_dma source(%dma_start3A_76 : memref<100000x128xf32, #tpu.memory_space<hbm>>) target(%arg16 : memref<128x128xf32, #tpu.memory_space<vmem>>) offsets(%dma_start3A_73 : memref<128xi32, #tpu.memory_space<vmem>>) semaphore(%arg28 : memref<!tpu.dma_semaphore, #tpu.memory_space<semaphore_mem>>)
    %dma_wait3A_77 = arith.constant 0 : i32
    %dma_wait3A_78 = tpu.memref_slice %arg8[%dma_wait3A_77] : memref<512xi32, #tpu.memory_space<vmem>> -> memref<128xi32, #tpu.memory_space<vmem>>
    %dma_wait3A_79 = arith.constant 0 : i32
    %dma_wait3A_80 = arith.constant 0 : i32
    %dma_wait3A_81 = tpu.memref_slice %arg2[%dma_wait3A_79, %dma_wait3A_80] : memref<100000x128xf32, #tpu.memory_space<hbm>> -> memref<100000x128xf32, #tpu.memory_space<hbm>>
    tpu.wait_indirect_dma semaphore(%arg27 : memref<!tpu.dma_semaphore, #tpu.memory_space<semaphore_mem>>) src(%dma_wait3A_81 : memref<100000x128xf32, #tpu.memory_space<hbm>>) dst(%arg15 : memref<128x128xf32, #tpu.memory_space<vmem>>)
    %add3A_82 = arith.constant 256 : i32
    %add3A_83 = arith.addi %mul3A_8, %add3A_82 : i32
    %dma_start3A_84 = arith.constant 0 : i32
    %dma_start3A_85 = tpu.memref_slice %arg6[%add3A_83, %dma_start3A_84] : memref<16384x128xf32, #tpu.memory_space<hbm>> -> memref<128x128xf32, #tpu.memory_space<hbm>>
    %dma_start3A_86 = arith.constant 0 : i32
    %dma_start3A_87 = tpu.memref_slice %arg6[%add3A_83, %dma_start3A_86] : memref<16384x128xf32, #tpu.memory_space<hbm>> -> memref<128x128xf32, #tpu.memory_space<hbm>>
    tpu.enqueue_dma source(%arg15 : memref<128x128xf32, #tpu.memory_space<vmem>>) target(%dma_start3A_87 : memref<128x128xf32, #tpu.memory_space<hbm>>) target_semaphore(%arg29 : memref<!tpu.dma_semaphore, #tpu.memory_space<semaphore_mem>>)
    %dma_wait3A_88 = arith.constant 0 : i32
    %dma_wait3A_89 = tpu.memref_slice %arg8[%dma_wait3A_88] : memref<512xi32, #tpu.memory_space<vmem>> -> memref<128xi32, #tpu.memory_space<vmem>>
    %dma_wait3A_90 = arith.constant 0 : i32
    %dma_wait3A_91 = arith.constant 0 : i32
    %dma_wait3A_92 = tpu.memref_slice %arg2[%dma_wait3A_90, %dma_wait3A_91] : memref<100000x128xf32, #tpu.memory_space<hbm>> -> memref<100000x128xf32, #tpu.memory_space<hbm>>
    tpu.wait_indirect_dma semaphore(%arg28 : memref<!tpu.dma_semaphore, #tpu.memory_space<semaphore_mem>>) src(%dma_wait3A_92 : memref<100000x128xf32, #tpu.memory_space<hbm>>) dst(%arg16 : memref<128x128xf32, #tpu.memory_space<vmem>>)
    %add3A_93 = arith.constant 384 : i32
    %add3A_94 = arith.addi %mul3A_8, %add3A_93 : i32
    %dma_start3A_95 = arith.constant 0 : i32
    %dma_start3A_96 = tpu.memref_slice %arg6[%add3A_94, %dma_start3A_95] : memref<16384x128xf32, #tpu.memory_space<hbm>> -> memref<128x128xf32, #tpu.memory_space<hbm>>
    %dma_start3A_97 = arith.constant 0 : i32
    %dma_start3A_98 = tpu.memref_slice %arg6[%add3A_94, %dma_start3A_97] : memref<16384x128xf32, #tpu.memory_space<hbm>> -> memref<128x128xf32, #tpu.memory_space<hbm>>
    tpu.enqueue_dma source(%arg16 : memref<128x128xf32, #tpu.memory_space<vmem>>) target(%dma_start3A_98 : memref<128x128xf32, #tpu.memory_space<hbm>>) target_semaphore(%arg30 : memref<!tpu.dma_semaphore, #tpu.memory_space<semaphore_mem>>)
    %dma_wait3A_99 = arith.constant 0 : i32
    %dma_wait3A_100 = tpu.memref_slice %arg6[%mul3A_8, %dma_wait3A_99] : memref<16384x128xf32, #tpu.memory_space<hbm>> -> memref<128x128xf32, #tpu.memory_space<hbm>>
    %dma_wait3A_101 = arith.constant 0 : i32
    %dma_wait3A_102 = tpu.memref_slice %arg6[%mul3A_8, %dma_wait3A_101] : memref<16384x128xf32, #tpu.memory_space<hbm>> -> memref<128x128xf32, #tpu.memory_space<hbm>>
    tpu.wait_dma2 semaphore(%arg29 : memref<!tpu.dma_semaphore, #tpu.memory_space<semaphore_mem>>) src(%arg15 : memref<128x128xf32, #tpu.memory_space<vmem>>) dst(%dma_wait3A_102 : memref<128x128xf32, #tpu.memory_space<hbm>>)
    %dma_wait3A_103 = arith.constant 0 : i32
    %dma_wait3A_104 = tpu.memref_slice %arg6[%mul3A_8, %dma_wait3A_103] : memref<16384x128xf32, #tpu.memory_space<hbm>> -> memref<128x128xf32, #tpu.memory_space<hbm>>
    %dma_wait3A_105 = arith.constant 0 : i32
    %dma_wait3A_106 = tpu.memref_slice %arg6[%mul3A_8, %dma_wait3A_105] : memref<16384x128xf32, #tpu.memory_space<hbm>> -> memref<128x128xf32, #tpu.memory_space<hbm>>
    tpu.wait_dma2 semaphore(%arg30 : memref<!tpu.dma_semaphore, #tpu.memory_space<semaphore_mem>>) src(%arg16 : memref<128x128xf32, #tpu.memory_space<vmem>>) dst(%dma_wait3A_106 : memref<128x128xf32, #tpu.memory_space<hbm>>)
    %scan3A = arith.constant 0 : i32
    %scan3A_107 = arith.constant 0 : i32
    %scan3A_108 = arith.constant 16 : i32
    %scan3A_109 = arith.addi %scan3A_107, %scan3A_108 : i32
    %scan3A_110 = arith.constant 1 : i32
    scf.for %scan3A_132 = %scan3A_107 to %scan3A_109 step %scan3A_110  : i32 {
      %mul3A_133 = arith.constant 5 : i32
      %mul3A_134 = arith.muli %mul3A_133, %scan3A_132 : i32
      %add3A_135 = arith.constant 0 : i32
      %add3A_136 = arith.addi %mul3A_134, %add3A_135 : i32
      %dma_wait3A_137 = arith.constant 0 : i32
      %dma_wait3A_138 = tpu.memref_slice %arg9[%dma_wait3A_137] : memref<10240xi32, #tpu.memory_space<vmem>> -> memref<128xi32, #tpu.memory_space<vmem>>
      %dma_wait3A_139 = arith.constant 0 : i32
      %dma_wait3A_140 = arith.constant 0 : i32
      %dma_wait3A_141 = tpu.memref_slice %arg3[%dma_wait3A_139, %dma_wait3A_140] : memref<100000x128xf32, #tpu.memory_space<hbm>> -> memref<100000x128xf32, #tpu.memory_space<hbm>>
      tpu.wait_indirect_dma semaphore(%arg17 : memref<!tpu.dma_semaphore, #tpu.memory_space<semaphore_mem>>) src(%dma_wait3A_141 : memref<100000x128xf32, #tpu.memory_space<hbm>>) dst(%arg10 : memref<128x128xf32, #tpu.memory_space<vmem>>)
      %mul3A_142 = arith.constant 128 : i32
      %mul3A_143 = arith.muli %add3A_136, %mul3A_142 : i32
      %add3A_144 = arith.addi %mul3A_6, %mul3A_143 : i32
      %dma_start3A_145 = arith.constant 0 : i32
      %dma_start3A_146 = tpu.memref_slice %arg7[%add3A_144, %dma_start3A_145] : memref<327680x128xf32, #tpu.memory_space<hbm>> -> memref<128x128xf32, #tpu.memory_space<hbm>>
      %dma_start3A_147 = arith.constant 0 : i32
      %dma_start3A_148 = tpu.memref_slice %arg7[%add3A_144, %dma_start3A_147] : memref<327680x128xf32, #tpu.memory_space<hbm>> -> memref<128x128xf32, #tpu.memory_space<hbm>>
      tpu.enqueue_dma source(%arg10 : memref<128x128xf32, #tpu.memory_space<vmem>>) target(%dma_start3A_148 : memref<128x128xf32, #tpu.memory_space<hbm>>) target_semaphore(%arg22 : memref<!tpu.dma_semaphore, #tpu.memory_space<semaphore_mem>>)
      %ge3A = arith.constant 1 : i32
      %ge3A_149 = arith.cmpi sge, %scan3A_132, %ge3A : i32
      %convert_element_type3A = arith.extui %ge3A_149 : i1 to i32
      %cond3A = arith.constant 0 : i32
      %cond3A_150 = arith.cmpi ne, %convert_element_type3A, %cond3A : i32
      scf.if %cond3A_150 {
        %dma_wait3A_243 = arith.constant 0 : i32
        %dma_wait3A_244 = tpu.memref_slice %arg7[%mul3A_6, %dma_wait3A_243] : memref<327680x128xf32, #tpu.memory_space<hbm>> -> memref<128x128xf32, #tpu.memory_space<hbm>>
        %dma_wait3A_245 = arith.constant 0 : i32
        %dma_wait3A_246 = tpu.memref_slice %arg7[%mul3A_6, %dma_wait3A_245] : memref<327680x128xf32, #tpu.memory_space<hbm>> -> memref<128x128xf32, #tpu.memory_space<hbm>>
        tpu.wait_dma2 semaphore(%arg26 : memref<!tpu.dma_semaphore, #tpu.memory_space<semaphore_mem>>) src(%arg14 : memref<128x128xf32, #tpu.memory_space<vmem>>) dst(%dma_wait3A_246 : memref<128x128xf32, #tpu.memory_space<hbm>>)
      } else {
      }
      %add3A_151 = arith.constant 5 : i32
      %add3A_152 = arith.addi %add3A_136, %add3A_151 : i32
      %sub3A = arith.constant 1 : i32
      %sub3A_153 = arith.subi %add3A_152, %sub3A : i32
      %mul3A_154 = arith.constant 128 : i32
      %mul3A_155 = arith.muli %sub3A_153, %mul3A_154 : i32
      %dma_start3A_156 = tpu.memref_slice %arg9[%mul3A_155] : memref<10240xi32, #tpu.memory_space<vmem>> -> memref<128xi32, #tpu.memory_space<vmem>>
      %dma_start3A_157 = arith.constant 0 : i32
      %dma_start3A_158 = arith.constant 0 : i32
      %dma_start3A_159 = tpu.memref_slice %arg3[%dma_start3A_157, %dma_start3A_158] : memref<100000x128xf32, #tpu.memory_space<hbm>> -> memref<100000x128xf32, #tpu.memory_space<hbm>>
      tpu.enqueue_indirect_dma source(%dma_start3A_159 : memref<100000x128xf32, #tpu.memory_space<hbm>>) target(%arg14 : memref<128x128xf32, #tpu.memory_space<vmem>>) offsets(%dma_start3A_156 : memref<128xi32, #tpu.memory_space<vmem>>) semaphore(%arg21 : memref<!tpu.dma_semaphore, #tpu.memory_space<semaphore_mem>>)
      %add3A_160 = arith.constant 1 : i32
      %add3A_161 = arith.addi %mul3A_134, %add3A_160 : i32
      %dma_wait3A_162 = arith.constant 0 : i32
      %dma_wait3A_163 = tpu.memref_slice %arg9[%dma_wait3A_162] : memref<10240xi32, #tpu.memory_space<vmem>> -> memref<128xi32, #tpu.memory_space<vmem>>
      %dma_wait3A_164 = arith.constant 0 : i32
      %dma_wait3A_165 = arith.constant 0 : i32
      %dma_wait3A_166 = tpu.memref_slice %arg3[%dma_wait3A_164, %dma_wait3A_165] : memref<100000x128xf32, #tpu.memory_space<hbm>> -> memref<100000x128xf32, #tpu.memory_space<hbm>>
      tpu.wait_indirect_dma semaphore(%arg18 : memref<!tpu.dma_semaphore, #tpu.memory_space<semaphore_mem>>) src(%dma_wait3A_166 : memref<100000x128xf32, #tpu.memory_space<hbm>>) dst(%arg11 : memref<128x128xf32, #tpu.memory_space<vmem>>)
      %mul3A_167 = arith.constant 128 : i32
      %mul3A_168 = arith.muli %add3A_161, %mul3A_167 : i32
      %add3A_169 = arith.addi %mul3A_6, %mul3A_168 : i32
      %dma_start3A_170 = arith.constant 0 : i32
      %dma_start3A_171 = tpu.memref_slice %arg7[%add3A_169, %dma_start3A_170] : memref<327680x128xf32, #tpu.memory_space<hbm>> -> memref<128x128xf32, #tpu.memory_space<hbm>>
      %dma_start3A_172 = arith.constant 0 : i32
      %dma_start3A_173 = tpu.memref_slice %arg7[%add3A_169, %dma_start3A_172] : memref<327680x128xf32, #tpu.memory_space<hbm>> -> memref<128x128xf32, #tpu.memory_space<hbm>>
      tpu.enqueue_dma source(%arg11 : memref<128x128xf32, #tpu.memory_space<vmem>>) target(%dma_start3A_173 : memref<128x128xf32, #tpu.memory_space<hbm>>) target_semaphore(%arg23 : memref<!tpu.dma_semaphore, #tpu.memory_space<semaphore_mem>>)
      %add3A_174 = arith.constant 1 : i32
      %add3A_175 = arith.addi %scan3A_132, %add3A_174 : i32
      %lt3A = arith.constant 16 : i32
      %lt3A_176 = arith.cmpi slt, %add3A_175, %lt3A : i32
      %convert_element_type3A_177 = arith.extui %lt3A_176 : i1 to i32
      %cond3A_178 = arith.constant 0 : i32
      %cond3A_179 = arith.cmpi ne, %convert_element_type3A_177, %cond3A_178 : i32
      scf.if %cond3A_179 {
        %dma_wait3A_243 = arith.constant 0 : i32
        %dma_wait3A_244 = tpu.memref_slice %arg7[%mul3A_6, %dma_wait3A_243] : memref<327680x128xf32, #tpu.memory_space<hbm>> -> memref<128x128xf32, #tpu.memory_space<hbm>>
        %dma_wait3A_245 = arith.constant 0 : i32
        %dma_wait3A_246 = tpu.memref_slice %arg7[%mul3A_6, %dma_wait3A_245] : memref<327680x128xf32, #tpu.memory_space<hbm>> -> memref<128x128xf32, #tpu.memory_space<hbm>>
        tpu.wait_dma2 semaphore(%arg22 : memref<!tpu.dma_semaphore, #tpu.memory_space<semaphore_mem>>) src(%arg10 : memref<128x128xf32, #tpu.memory_space<vmem>>) dst(%dma_wait3A_246 : memref<128x128xf32, #tpu.memory_space<hbm>>)
        %add3A_247 = arith.constant 5 : i32
        %add3A_248 = arith.addi %add3A_161, %add3A_247 : i32
        %sub3A_249 = arith.constant 1 : i32
        %sub3A_250 = arith.subi %add3A_248, %sub3A_249 : i32
        %mul3A_251 = arith.constant 128 : i32
        %mul3A_252 = arith.muli %sub3A_250, %mul3A_251 : i32
        %dma_start3A_253 = tpu.memref_slice %arg9[%mul3A_252] : memref<10240xi32, #tpu.memory_space<vmem>> -> memref<128xi32, #tpu.memory_space<vmem>>
        %dma_start3A_254 = arith.constant 0 : i32
        %dma_start3A_255 = arith.constant 0 : i32
        %dma_start3A_256 = tpu.memref_slice %arg3[%dma_start3A_254, %dma_start3A_255] : memref<100000x128xf32, #tpu.memory_space<hbm>> -> memref<100000x128xf32, #tpu.memory_space<hbm>>
        tpu.enqueue_indirect_dma source(%dma_start3A_256 : memref<100000x128xf32, #tpu.memory_space<hbm>>) target(%arg10 : memref<128x128xf32, #tpu.memory_space<vmem>>) offsets(%dma_start3A_253 : memref<128xi32, #tpu.memory_space<vmem>>) semaphore(%arg17 : memref<!tpu.dma_semaphore, #tpu.memory_space<semaphore_mem>>)
      } else {
      }
      %add3A_180 = arith.constant 2 : i32
      %add3A_181 = arith.addi %mul3A_134, %add3A_180 : i32
      %dma_wait3A_182 = arith.constant 0 : i32
      %dma_wait3A_183 = tpu.memref_slice %arg9[%dma_wait3A_182] : memref<10240xi32, #tpu.memory_space<vmem>> -> memref<128xi32, #tpu.memory_space<vmem>>
      %dma_wait3A_184 = arith.constant 0 : i32
      %dma_wait3A_185 = arith.constant 0 : i32
      %dma_wait3A_186 = tpu.memref_slice %arg3[%dma_wait3A_184, %dma_wait3A_185] : memref<100000x128xf32, #tpu.memory_space<hbm>> -> memref<100000x128xf32, #tpu.memory_space<hbm>>
      tpu.wait_indirect_dma semaphore(%arg19 : memref<!tpu.dma_semaphore, #tpu.memory_space<semaphore_mem>>) src(%dma_wait3A_186 : memref<100000x128xf32, #tpu.memory_space<hbm>>) dst(%arg12 : memref<128x128xf32, #tpu.memory_space<vmem>>)
      %mul3A_187 = arith.constant 128 : i32
      %mul3A_188 = arith.muli %add3A_181, %mul3A_187 : i32
      %add3A_189 = arith.addi %mul3A_6, %mul3A_188 : i32
      %dma_start3A_190 = arith.constant 0 : i32
      %dma_start3A_191 = tpu.memref_slice %arg7[%add3A_189, %dma_start3A_190] : memref<327680x128xf32, #tpu.memory_space<hbm>> -> memref<128x128xf32, #tpu.memory_space<hbm>>
      %dma_start3A_192 = arith.constant 0 : i32
      %dma_start3A_193 = tpu.memref_slice %arg7[%add3A_189, %dma_start3A_192] : memref<327680x128xf32, #tpu.memory_space<hbm>> -> memref<128x128xf32, #tpu.memory_space<hbm>>
      tpu.enqueue_dma source(%arg12 : memref<128x128xf32, #tpu.memory_space<vmem>>) target(%dma_start3A_193 : memref<128x128xf32, #tpu.memory_space<hbm>>) target_semaphore(%arg24 : memref<!tpu.dma_semaphore, #tpu.memory_space<semaphore_mem>>)
      %add3A_194 = arith.constant 1 : i32
      %add3A_195 = arith.addi %scan3A_132, %add3A_194 : i32
      %lt3A_196 = arith.constant 16 : i32
      %lt3A_197 = arith.cmpi slt, %add3A_195, %lt3A_196 : i32
      %convert_element_type3A_198 = arith.extui %lt3A_197 : i1 to i32
      %cond3A_199 = arith.constant 0 : i32
      %cond3A_200 = arith.cmpi ne, %convert_element_type3A_198, %cond3A_199 : i32
      scf.if %cond3A_200 {
        %dma_wait3A_243 = arith.constant 0 : i32
        %dma_wait3A_244 = tpu.memref_slice %arg7[%mul3A_6, %dma_wait3A_243] : memref<327680x128xf32, #tpu.memory_space<hbm>> -> memref<128x128xf32, #tpu.memory_space<hbm>>
        %dma_wait3A_245 = arith.constant 0 : i32
        %dma_wait3A_246 = tpu.memref_slice %arg7[%mul3A_6, %dma_wait3A_245] : memref<327680x128xf32, #tpu.memory_space<hbm>> -> memref<128x128xf32, #tpu.memory_space<hbm>>
        tpu.wait_dma2 semaphore(%arg23 : memref<!tpu.dma_semaphore, #tpu.memory_space<semaphore_mem>>) src(%arg11 : memref<128x128xf32, #tpu.memory_space<vmem>>) dst(%dma_wait3A_246 : memref<128x128xf32, #tpu.memory_space<hbm>>)
        %add3A_247 = arith.constant 5 : i32
        %add3A_248 = arith.addi %add3A_181, %add3A_247 : i32
        %sub3A_249 = arith.constant 1 : i32
        %sub3A_250 = arith.subi %add3A_248, %sub3A_249 : i32
        %mul3A_251 = arith.constant 128 : i32
        %mul3A_252 = arith.muli %sub3A_250, %mul3A_251 : i32
        %dma_start3A_253 = tpu.memref_slice %arg9[%mul3A_252] : memref<10240xi32, #tpu.memory_space<vmem>> -> memref<128xi32, #tpu.memory_space<vmem>>
        %dma_start3A_254 = arith.constant 0 : i32
        %dma_start3A_255 = arith.constant 0 : i32
        %dma_start3A_256 = tpu.memref_slice %arg3[%dma_start3A_254, %dma_start3A_255] : memref<100000x128xf32, #tpu.memory_space<hbm>> -> memref<100000x128xf32, #tpu.memory_space<hbm>>
        tpu.enqueue_indirect_dma source(%dma_start3A_256 : memref<100000x128xf32, #tpu.memory_space<hbm>>) target(%arg11 : memref<128x128xf32, #tpu.memory_space<vmem>>) offsets(%dma_start3A_253 : memref<128xi32, #tpu.memory_space<vmem>>) semaphore(%arg18 : memref<!tpu.dma_semaphore, #tpu.memory_space<semaphore_mem>>)
      } else {
      }
      %add3A_201 = arith.constant 3 : i32
      %add3A_202 = arith.addi %mul3A_134, %add3A_201 : i32
      %dma_wait3A_203 = arith.constant 0 : i32
      %dma_wait3A_204 = tpu.memref_slice %arg9[%dma_wait3A_203] : memref<10240xi32, #tpu.memory_space<vmem>> -> memref<128xi32, #tpu.memory_space<vmem>>
      %dma_wait3A_205 = arith.constant 0 : i32
      %dma_wait3A_206 = arith.constant 0 : i32
      %dma_wait3A_207 = tpu.memref_slice %arg3[%dma_wait3A_205, %dma_wait3A_206] : memref<100000x128xf32, #tpu.memory_space<hbm>> -> memref<100000x128xf32, #tpu.memory_space<hbm>>
      tpu.wait_indirect_dma semaphore(%arg20 : memref<!tpu.dma_semaphore, #tpu.memory_space<semaphore_mem>>) src(%dma_wait3A_207 : memref<100000x128xf32, #tpu.memory_space<hbm>>) dst(%arg13 : memref<128x128xf32, #tpu.memory_space<vmem>>)
      %mul3A_208 = arith.constant 128 : i32
      %mul3A_209 = arith.muli %add3A_202, %mul3A_208 : i32
      %add3A_210 = arith.addi %mul3A_6, %mul3A_209 : i32
      %dma_start3A_211 = arith.constant 0 : i32
      %dma_start3A_212 = tpu.memref_slice %arg7[%add3A_210, %dma_start3A_211] : memref<327680x128xf32, #tpu.memory_space<hbm>> -> memref<128x128xf32, #tpu.memory_space<hbm>>
      %dma_start3A_213 = arith.constant 0 : i32
      %dma_start3A_214 = tpu.memref_slice %arg7[%add3A_210, %dma_start3A_213] : memref<327680x128xf32, #tpu.memory_space<hbm>> -> memref<128x128xf32, #tpu.memory_space<hbm>>
      tpu.enqueue_dma source(%arg13 : memref<128x128xf32, #tpu.memory_space<vmem>>) target(%dma_start3A_214 : memref<128x128xf32, #tpu.memory_space<hbm>>) target_semaphore(%arg25 : memref<!tpu.dma_semaphore, #tpu.memory_space<semaphore_mem>>)
      %add3A_215 = arith.constant 1 : i32
      %add3A_216 = arith.addi %scan3A_132, %add3A_215 : i32
      %lt3A_217 = arith.constant 16 : i32
      %lt3A_218 = arith.cmpi slt, %add3A_216, %lt3A_217 : i32
      %convert_element_type3A_219 = arith.extui %lt3A_218 : i1 to i32
      %cond3A_220 = arith.constant 0 : i32
      %cond3A_221 = arith.cmpi ne, %convert_element_type3A_219, %cond3A_220 : i32
      scf.if %cond3A_221 {
        %dma_wait3A_243 = arith.constant 0 : i32
        %dma_wait3A_244 = tpu.memref_slice %arg7[%mul3A_6, %dma_wait3A_243] : memref<327680x128xf32, #tpu.memory_space<hbm>> -> memref<128x128xf32, #tpu.memory_space<hbm>>
        %dma_wait3A_245 = arith.constant 0 : i32
        %dma_wait3A_246 = tpu.memref_slice %arg7[%mul3A_6, %dma_wait3A_245] : memref<327680x128xf32, #tpu.memory_space<hbm>> -> memref<128x128xf32, #tpu.memory_space<hbm>>
        tpu.wait_dma2 semaphore(%arg24 : memref<!tpu.dma_semaphore, #tpu.memory_space<semaphore_mem>>) src(%arg12 : memref<128x128xf32, #tpu.memory_space<vmem>>) dst(%dma_wait3A_246 : memref<128x128xf32, #tpu.memory_space<hbm>>)
        %add3A_247 = arith.constant 5 : i32
        %add3A_248 = arith.addi %add3A_202, %add3A_247 : i32
        %sub3A_249 = arith.constant 1 : i32
        %sub3A_250 = arith.subi %add3A_248, %sub3A_249 : i32
        %mul3A_251 = arith.constant 128 : i32
        %mul3A_252 = arith.muli %sub3A_250, %mul3A_251 : i32
        %dma_start3A_253 = tpu.memref_slice %arg9[%mul3A_252] : memref<10240xi32, #tpu.memory_space<vmem>> -> memref<128xi32, #tpu.memory_space<vmem>>
        %dma_start3A_254 = arith.constant 0 : i32
        %dma_start3A_255 = arith.constant 0 : i32
        %dma_start3A_256 = tpu.memref_slice %arg3[%dma_start3A_254, %dma_start3A_255] : memref<100000x128xf32, #tpu.memory_space<hbm>> -> memref<100000x128xf32, #tpu.memory_space<hbm>>
        tpu.enqueue_indirect_dma source(%dma_start3A_256 : memref<100000x128xf32, #tpu.memory_space<hbm>>) target(%arg12 : memref<128x128xf32, #tpu.memory_space<vmem>>) offsets(%dma_start3A_253 : memref<128xi32, #tpu.memory_space<vmem>>) semaphore(%arg19 : memref<!tpu.dma_semaphore, #tpu.memory_space<semaphore_mem>>)
      } else {
      }
      %add3A_222 = arith.constant 4 : i32
      %add3A_223 = arith.addi %mul3A_134, %add3A_222 : i32
      %dma_wait3A_224 = arith.constant 0 : i32
      %dma_wait3A_225 = tpu.memref_slice %arg9[%dma_wait3A_224] : memref<10240xi32, #tpu.memory_space<vmem>> -> memref<128xi32, #tpu.memory_space<vmem>>
      %dma_wait3A_226 = arith.constant 0 : i32
      %dma_wait3A_227 = arith.constant 0 : i32
      %dma_wait3A_228 = tpu.memref_slice %arg3[%dma_wait3A_226, %dma_wait3A_227] : memref<100000x128xf32, #tpu.memory_space<hbm>> -> memref<100000x128xf32, #tpu.memory_space<hbm>>
      tpu.wait_indirect_dma semaphore(%arg21 : memref<!tpu.dma_semaphore, #tpu.memory_space<semaphore_mem>>) src(%dma_wait3A_228 : memref<100000x128xf32, #tpu.memory_space<hbm>>) dst(%arg14 : memref<128x128xf32, #tpu.memory_space<vmem>>)
      %mul3A_229 = arith.constant 128 : i32
      %mul3A_230 = arith.muli %add3A_223, %mul3A_229 : i32
      %add3A_231 = arith.addi %mul3A_6, %mul3A_230 : i32
      %dma_start3A_232 = arith.constant 0 : i32
      %dma_start3A_233 = tpu.memref_slice %arg7[%add3A_231, %dma_start3A_232] : memref<327680x128xf32, #tpu.memory_space<hbm>> -> memref<128x128xf32, #tpu.memory_space<hbm>>
      %dma_start3A_234 = arith.constant 0 : i32
      %dma_start3A_235 = tpu.memref_slice %arg7[%add3A_231, %dma_start3A_234] : memref<327680x128xf32, #tpu.memory_space<hbm>> -> memref<128x128xf32, #tpu.memory_space<hbm>>
      tpu.enqueue_dma source(%arg14 : memref<128x128xf32, #tpu.memory_space<vmem>>) target(%dma_start3A_235 : memref<128x128xf32, #tpu.memory_space<hbm>>) target_semaphore(%arg26 : memref<!tpu.dma_semaphore, #tpu.memory_space<semaphore_mem>>)
      %add3A_236 = arith.constant 1 : i32
      %add3A_237 = arith.addi %scan3A_132, %add3A_236 : i32
      %lt3A_238 = arith.constant 16 : i32
      %lt3A_239 = arith.cmpi slt, %add3A_237, %lt3A_238 : i32
      %convert_element_type3A_240 = arith.extui %lt3A_239 : i1 to i32
      %cond3A_241 = arith.constant 0 : i32
      %cond3A_242 = arith.cmpi ne, %convert_element_type3A_240, %cond3A_241 : i32
      scf.if %cond3A_242 {
        %dma_wait3A_243 = arith.constant 0 : i32
        %dma_wait3A_244 = tpu.memref_slice %arg7[%mul3A_6, %dma_wait3A_243] : memref<327680x128xf32, #tpu.memory_space<hbm>> -> memref<128x128xf32, #tpu.memory_space<hbm>>
        %dma_wait3A_245 = arith.constant 0 : i32
        %dma_wait3A_246 = tpu.memref_slice %arg7[%mul3A_6, %dma_wait3A_245] : memref<327680x128xf32, #tpu.memory_space<hbm>> -> memref<128x128xf32, #tpu.memory_space<hbm>>
        tpu.wait_dma2 semaphore(%arg25 : memref<!tpu.dma_semaphore, #tpu.memory_space<semaphore_mem>>) src(%arg13 : memref<128x128xf32, #tpu.memory_space<vmem>>) dst(%dma_wait3A_246 : memref<128x128xf32, #tpu.memory_space<hbm>>)
        %add3A_247 = arith.constant 5 : i32
        %add3A_248 = arith.addi %add3A_223, %add3A_247 : i32
        %sub3A_249 = arith.constant 1 : i32
        %sub3A_250 = arith.subi %add3A_248, %sub3A_249 : i32
        %mul3A_251 = arith.constant 128 : i32
        %mul3A_252 = arith.muli %sub3A_250, %mul3A_251 : i32
        %dma_start3A_253 = tpu.memref_slice %arg9[%mul3A_252] : memref<10240xi32, #tpu.memory_space<vmem>> -> memref<128xi32, #tpu.memory_space<vmem>>
        %dma_start3A_254 = arith.constant 0 : i32
        %dma_start3A_255 = arith.constant 0 : i32
        %dma_start3A_256 = tpu.memref_slice %arg3[%dma_start3A_254, %dma_start3A_255] : memref<100000x128xf32, #tpu.memory_space<hbm>> -> memref<100000x128xf32, #tpu.memory_space<hbm>>
        tpu.enqueue_indirect_dma source(%dma_start3A_256 : memref<100000x128xf32, #tpu.memory_space<hbm>>) target(%arg13 : memref<128x128xf32, #tpu.memory_space<vmem>>) offsets(%dma_start3A_253 : memref<128xi32, #tpu.memory_space<vmem>>) semaphore(%arg20 : memref<!tpu.dma_semaphore, #tpu.memory_space<semaphore_mem>>)
      } else {
      }
    }
    %scan3A_111 = arith.constant 16 : i32
    %dma_wait3A_112 = arith.constant 0 : i32
    %dma_wait3A_113 = tpu.memref_slice %arg7[%mul3A_6, %dma_wait3A_112] : memref<327680x128xf32, #tpu.memory_space<hbm>> -> memref<128x128xf32, #tpu.memory_space<hbm>>
    %dma_wait3A_114 = arith.constant 0 : i32
    %dma_wait3A_115 = tpu.memref_slice %arg7[%mul3A_6, %dma_wait3A_114] : memref<327680x128xf32, #tpu.memory_space<hbm>> -> memref<128x128xf32, #tpu.memory_space<hbm>>
    tpu.wait_dma2 semaphore(%arg22 : memref<!tpu.dma_semaphore, #tpu.memory_space<semaphore_mem>>) src(%arg10 : memref<128x128xf32, #tpu.memory_space<vmem>>) dst(%dma_wait3A_115 : memref<128x128xf32, #tpu.memory_space<hbm>>)
    %dma_wait3A_116 = arith.constant 0 : i32
    %dma_wait3A_117 = tpu.memref_slice %arg7[%mul3A_6, %dma_wait3A_116] : memref<327680x128xf32, #tpu.memory_space<hbm>> -> memref<128x128xf32, #tpu.memory_space<hbm>>
    %dma_wait3A_118 = arith.constant 0 : i32
    %dma_wait3A_119 = tpu.memref_slice %arg7[%mul3A_6, %dma_wait3A_118] : memref<327680x128xf32, #tpu.memory_space<hbm>> -> memref<128x128xf32, #tpu.memory_space<hbm>>
    tpu.wait_dma2 semaphore(%arg23 : memref<!tpu.dma_semaphore, #tpu.memory_space<semaphore_mem>>) src(%arg11 : memref<128x128xf32, #tpu.memory_space<vmem>>) dst(%dma_wait3A_119 : memref<128x128xf32, #tpu.memory_space<hbm>>)
    %dma_wait3A_120 = arith.constant 0 : i32
    %dma_wait3A_121 = tpu.memref_slice %arg7[%mul3A_6, %dma_wait3A_120] : memref<327680x128xf32, #tpu.memory_space<hbm>> -> memref<128x128xf32, #tpu.memory_space<hbm>>
    %dma_wait3A_122 = arith.constant 0 : i32
    %dma_wait3A_123 = tpu.memref_slice %arg7[%mul3A_6, %dma_wait3A_122] : memref<327680x128xf32, #tpu.memory_space<hbm>> -> memref<128x128xf32, #tpu.memory_space<hbm>>
    tpu.wait_dma2 semaphore(%arg24 : memref<!tpu.dma_semaphore, #tpu.memory_space<semaphore_mem>>) src(%arg12 : memref<128x128xf32, #tpu.memory_space<vmem>>) dst(%dma_wait3A_123 : memref<128x128xf32, #tpu.memory_space<hbm>>)
    %dma_wait3A_124 = arith.constant 0 : i32
    %dma_wait3A_125 = tpu.memref_slice %arg7[%mul3A_6, %dma_wait3A_124] : memref<327680x128xf32, #tpu.memory_space<hbm>> -> memref<128x128xf32, #tpu.memory_space<hbm>>
    %dma_wait3A_126 = arith.constant 0 : i32
    %dma_wait3A_127 = tpu.memref_slice %arg7[%mul3A_6, %dma_wait3A_126] : memref<327680x128xf32, #tpu.memory_space<hbm>> -> memref<128x128xf32, #tpu.memory_space<hbm>>
    tpu.wait_dma2 semaphore(%arg25 : memref<!tpu.dma_semaphore, #tpu.memory_space<semaphore_mem>>) src(%arg13 : memref<128x128xf32, #tpu.memory_space<vmem>>) dst(%dma_wait3A_127 : memref<128x128xf32, #tpu.memory_space<hbm>>)
    %dma_wait3A_128 = arith.constant 0 : i32
    %dma_wait3A_129 = tpu.memref_slice %arg7[%mul3A_6, %dma_wait3A_128] : memref<327680x128xf32, #tpu.memory_space<hbm>> -> memref<128x128xf32, #tpu.memory_space<hbm>>
    %dma_wait3A_130 = arith.constant 0 : i32
    %dma_wait3A_131 = tpu.memref_slice %arg7[%mul3A_6, %dma_wait3A_130] : memref<327680x128xf32, #tpu.memory_space<hbm>> -> memref<128x128xf32, #tpu.memory_space<hbm>>
    tpu.wait_dma2 semaphore(%arg26 : memref<!tpu.dma_semaphore, #tpu.memory_space<semaphore_mem>>) src(%arg14 : memref<128x128xf32, #tpu.memory_space<vmem>>) dst(%dma_wait3A_131 : memref<128x128xf32, #tpu.memory_space<hbm>>)
    return
  }
}

</mosaic_0001>

<sc_bundles>
// kernel: kernel.3.cloned.1.call-start
scs
__scs_entry_jumppad:
0x0: {  	(pc) =	sbr.rel $0x88, $3  }
0x1: {  	(tag) =	ssettag $0x0;
	lr =	simm.s32 $0x1  }
0x2: {  	[smem:$0x3F9D] =	sst lr;
	_ =	strace $0xD0000000  }
0x3: {  	_ = 	snop  }
0x4: {  	_ = 	snop  }
0x5: {  	_ = 	snop  }
0x6: {  	_ = 	snop  }
0x7: {  	_ = 	snop  }
__scs_overlays_trampoline_lowered:
0x8: {  	[smem:$0x3FAC] =	sst s0  }
0x9: {  	[smem:$0x3FAD] =	sst s1  }
0xa: {  	[smem:$0x3FAE] =	sst s2  }
0xb: {  	[smem:$0x3FAF] =	sst s3  }
0xc: {  	[smem:$0x3FB0] =	sst s4  }
0xd: {  	[smem:$0x3FB1] =	sst s5  }
0xe: {  	[smem:$0x3FB2] =	sst s6  }
0xf: {  	[smem:$0x3FB3] =	sst s7  }
0x10: {  	[smem:$0x3FB4] =	sst s8  }
0x11: {  	[smem:$0x3FB5] =	sst s9;
	s0 =	simm.s32 @!p0 $0x0  }
0x12: {  	s1 =	sld [smem:$0x3F9B];
	s0 =	simm.s32 @p0 $0x1  }
0x13: {  	[smem:$0x3FB6] =	sst s0;
	s0 =	simm.s32 @!p1 $0x0  }
0x14: {  	s2 =	sld [smem:$0x3F9A];
	s0 =	simm.s32 @p1 $0x1  }
0x15: {  	[smem:$0x3FB7] =	sst s0;
	s0 =	simm.s32 @!p2 $0x0  }
0x16: {  	s3 =	sld [smem:$0x3FDB];
	s0 =	simm.s32 @p2 $0x1  }
0x17: {  	s4 =	simm.s32 $0x1BF5;
	[smem:$0x3FB9] =	sst s0  }
0x18: {  	s0 =	sld [smem:$0x3F9C];
	_ =	swait.ge [sflag:s4], $0x0  }
0x19: {  	s7 =	sld [smem:$0x3F9D]  }
0x1a: {  	s8 =	sadd.s32 $0xFFFFE003, lr  }
0x1b: {  	s9 =	sadd.s32 $0xFFFFFEF7, lr;
	s5 =	simm.s32 $0xFFFFFFFF;
	p2 =	slt.u32 s8, $0xFFFFF086  }
0x1c: {  	p1 =	slt.u32 s9, $0xF7A;
	s5 =	simm.s32 @!p2 $0x0  }
0x1d: {  	s5 =	simm.s32 @p1 $0x1;
	p0 =	seq.s32 s7, s2  }
0x1e: {  	s7 =	smul.u32 @!p0 $0xF7A, s2;
	p2 =	seq.s32 @!p0 s5, $0x0  }
0x1f: {  	s9 =	smul.u32 $0xF7A, s1;
	s8 =	simm.s32 @!p0 $0x1BF5;
	p2 =	por !p2, p0  }
0x20: {  	[sflag:s8] =	ssyncset.s32 @!p0 $0xFFFFF086;
	s6 =	sadd.s32 @!p0 s3, s7;
	s7 =	simm.s32 @!p0 $0x108  }
0x21: {  	s3 =	sadd.s32 s3, s9;
	s6 =	sadd.s32 @!p0 $0x88, s6;
	s7 =	simm.s32 @p2 $0x1082  }
0x22: {  	[simem:s7], [sflag:s8] =	dma.local @!p0 [hbm:s6], $0xF7A  }
0x23: {  	s9 =	sor.u32 $0xD0000000, s2;
	s6 =	simm.s32 $0x108;
	_ =	swait.ge @!p0 [sflag:s8], $0x0  }
0x24: {  	s3 =	sadd.s32 $0x88, s3;
	s6 =	simm.s32 @!p1 $0x1082;
	[sflag:s4] =	ssyncset.s32 $0xFFFFF086  }
0x25: {  	[simem:s6], [sflag:s4] =	dma.local [hbm:s3], $0xF7A  }
0x26: {  	[smem:$0x3F9D] =	sst s1;
	(tag) =	ssettag s2;
	_ =	strace s9  }
0x27: {  	s1 =	sld [smem:$0x3FAD]  }
0x28: {  	s2 =	sld [smem:$0x3FAE]  }
0x29: {  	s4 =	sld [smem:$0x3FB0]  }
0x2a: {  	p0 =	seq.s32 s5, $0x0;
	s5 =	sld [smem:$0x3FB1]  }
0x2b: {  	s6 =	sld [smem:$0x3FB2]  }
0x2c: {  	s7 =	sld [smem:$0x3FB3]  }
0x2d: {  	s3 =	simm.s32 $0x108;
	s8 =	sld [smem:$0x3FB4]  }
0x2e: {  	s3 =	simm.s32 @!p0 $0x1082;
	s9 =	sld [smem:$0x3FB5]  }
0x2f: {  	lr =	sadd.s32 s0, s3;
	s0 =	sld [smem:$0x3FAC]  }
0x30: {  	s3 =	sld [smem:$0x3FAF]  }
0x31: {  	[smem:$0x3FB8] =	sst s10  }
0x32: {  	s10 =	sld [smem:$0x3FB6];
	_ =	sdelay $0x3  }
0x33: {  	p0 =	seq.s32 s10, $0x1;
	s10 =	sld [smem:$0x3FB8];
	_ =	sdelay $0x3  }
0x34: {  	[smem:$0x3FB8] =	sst s10  }
0x35: {  	s10 =	sld [smem:$0x3FB7];
	_ =	sdelay $0x3  }
0x36: {  	p1 =	seq.s32 s10, $0x1;
	s10 =	sld [smem:$0x3FB8];
	_ =	sdelay $0x3  }
0x37: {  	[smem:$0x3FB8] =	sst s10  }
0x38: {  	s10 =	sld [smem:$0x3FB9]  }
0x39: {  	_ = 	snop;
	(pc) =	sbr.ind lr, $3  }
0x3a: {  	_ = 	snop  }
0x3b: {  	_ = 	snop  }
0x3c: {  	p2 =	seq.s32 s10, $0x1;
	s10 =	sld [smem:$0x3FB8]  }
0x3d: {  	_ =	shalt  }
0x3e: {  	_ =	shalt  }
0x3f: {  	_ =	shalt  }
0x40: {  	_ =	shalt  }
0x41: {  	_ =	shalt  }
0x42: {  	_ =	shalt  }
0x43: {  	_ =	shalt  }
0x44: {  	_ =	shalt  }
0x45: {  	_ =	shalt  }
0x46: {  	_ =	shalt  }
0x47: {  	_ =	shalt  }
0x48: {  	_ =	shalt  }
0x49: {  	_ =	shalt  }
0x4a: {  	_ =	shalt  }
0x4b: {  	_ =	shalt  }
0x4c: {  	_ =	shalt  }
0x4d: {  	_ =	shalt  }
0x4e: {  	_ =	shalt  }
0x4f: {  	_ =	shalt  }
0x50: {  	_ =	shalt  }
0x51: {  	_ =	shalt  }
0x52: {  	_ =	shalt  }
0x53: {  	_ =	shalt  }
0x54: {  	_ =	shalt  }
0x55: {  	_ =	shalt  }
0x56: {  	_ =	shalt  }
0x57: {  	_ =	shalt  }
0x58: {  	_ =	shalt  }
0x59: {  	_ =	shalt  }
0x5a: {  	_ =	shalt  }
0x5b: {  	_ =	shalt  }
0x5c: {  	_ =	shalt  }
0x5d: {  	_ =	shalt  }
0x5e: {  	_ =	shalt  }
0x5f: {  	_ =	shalt  }
0x60: {  	_ =	shalt  }
0x61: {  	_ =	shalt  }
0x62: {  	_ =	shalt  }
0x63: {  	_ =	shalt  }
0x64: {  	_ =	shalt  }
0x65: {  	_ =	shalt  }
0x66: {  	_ =	shalt  }
0x67: {  	_ =	shalt  }
0x68: {  	_ =	shalt  }
0x69: {  	_ =	shalt  }
0x6a: {  	_ =	shalt  }
0x6b: {  	_ =	shalt  }
0x6c: {  	_ =	shalt  }
0x6d: {  	_ =	shalt  }
0x6e: {  	_ =	shalt  }
0x6f: {  	_ =	shalt  }
0x70: {  	_ =	shalt  }
0x71: {  	_ =	shalt  }
0x72: {  	_ =	shalt  }
0x73: {  	_ =	shalt  }
0x74: {  	_ =	shalt  }
0x75: {  	_ =	shalt  }
0x76: {  	_ =	shalt  }
0x77: {  	_ =	shalt  }
0x78: {  	_ =	shalt  }
0x79: {  	_ =	shalt  }
0x7a: {  	_ =	shalt  }
0x7b: {  	_ =	shalt  }
0x7c: {  	_ =	shalt  }
0x7d: {  	_ =	shalt  }
0x7e: {  	_ =	shalt  }
0x7f: {  	_ =	shalt  }
0x80: {  	_ =	shalt  }
0x81: {  	_ =	shalt  }
0x82: {  	_ =	shalt  }
0x83: {  	_ =	shalt  }
0x84: {  	_ =	shalt  }
0x85: {  	_ =	shalt  }
0x86: {  	_ =	shalt  }
0x87: {  	_ =	shalt  }
.Lfunc_end0:
.L_simem_size_0:
called_computation_lowered:
.L_overlay_start_0:
0x88: {  	s2 =	sld [smem:$0x3FD9]  }
0x89: {  	s3 =	sld [smem:$0x3FFE];
	_ =	sdelay $0x1  }
0x8a: {  	s1 =	srdreg.scid  }
0x8b: {  	s0 =	sand.u32 $0x1, s1  }
0x8c: {  	s14 =	sshll.u32 s0, $0xA;
	s2 =	sadd.s32 s3, s2  }
0x8d: {  	s2 =	sadd.s32 s2, s14  }
0x8e: {  	[smem:$0x3FC4] =	sst s2  }
0x8f: {  	_ = 	snop  }
0x90: {  	s2 =	sld [smem:$0x3FD0]  }
0x91: {  	s15 =	sld [smem:$0x3FC9]  }
0x92: {  	s4 =	sld [smem:$0x3FC7]  }
0x93: {  	s6 =	simm.s32 $0xA;
	s7 =	simm.s32 $0x10;
	s5 =	sld [smem:$0x3FC6]  }
0x94: {  	[smem:s7], [sflag:s6] =	dma.local [hbm:s2], $0x1  }
0x95: {  	_ =	swait.eq [sflag:s6], $0x1  }
0x96: {  	[sflag:s6] =	ssyncset.done $0x0  }
0x97: {  	s16 =	sld [smem:$0x10];
	[sflag:s6] =	ssyncadd.s32 $0xFFFFFFFF  }
0x98: {  	s17 =	sld [smem:$0x11];
	(tm) =	ssettm $0x1  }
0x99: {  	s18 =	sld [smem:$0x3FFB];
	_ =	sdelay $0x3  }
0x9a: {  	_ =	strace s18  }
0x9b: {  	s7 =	sld [smem:$0x3FFC];
	_ =	sdelay $0x3  }
0x9c: {  	_ =	strace s7  }
0x9d: {  	s7 =	sld [smem:$0x3FFD];
	_ =	sdelay $0x3  }
0x9e: {  	_ =	strace s7  }
0x9f: {  	_ =	strace $0x8FFFFFFF  }
0xa0: {  	s19 =	sld [smem:$0x3FDB];
	_ =	sdelay $0x1  }
0xa1: {  	s8 =	simm.s32 $_scs_section_size  }
0xa2: {  	s9 =	simm.s32 $_size__tile_overlayer_lowered;
	s10 =	simm.s32 $_tile_overlayer_lowered  }
0xa3: {  	s22 =	simm.s32 $0x1BFF;
	s21 =	sshll.u32 s10, $0x1;
	s7 =	sadd.s32 s8, s19  }
0xa4: {  	s11 =	simm.s32 $0x0;
	s20 =	sshll.u32 s9, $0x1;
	s9 =	sadd.s32 s21, s7  }
0xa5: {  	[timem:s11], [sflag:s22] =	dma.local [hbm:s9], s20  }
0xa6: {  	_ =	swait.ge [sflag:s22], s20  }
0xa7: {  	s8 =	ssub.s32 $0x0, s20;
	[sflag:s22] =	ssyncset.done $0x0  }
0xa8: {  	[sflag:s22] =	ssyncadd.s32 s8;
	_ =	sdelay $0x1  }
0xa9: {  	s23 =	simm.s32 $0x1B8B  }
0xaa: {  	_ =	swait.ge [sflag:s23], $0x1  }
0xab: {  	[sflag:s23] =	ssyncset.done $0x0  }
0xac: {  	s25 =	simm.s32 $0x1B8E;
	s24 =	sld [smem:$0x3FFE];
	[sflag:s23] =	ssyncadd.s32 $0xFFFFFFFF  }
0xad: {  	s26 =	simm.s32 $execute0_lowered;
	[smem:$0x3FD2] =	sst s25  }
0xae: {  	s9 =	sshll.u32 s26, $0x1;
	_ =	strace $0x80000046;
	[dreg:$0x1] =	wrdreg $0xFFFFFFFF  }
0xaf: {  	s28 =	simm.s32 $_size_execute0_lowered;
	s7 =	sadd.s32 s7, s9;
	[dreg:$0x0] =	wrdreg $0x0  }
0xb0: {  	s9 =	sshll.u32 s28, $0x1;
	[dreg:$0x2] =	wrdreg s7  }
0xb1: {  	[dreg:$0x3] =	wrdreg s9  }
0xb2: {  	[dreg:$0x4] =	wrdreg $0xC0  }
0xb3: {  	_ =	task [dreg:s11], $0x5FFFF  }
0xb4: {  	[dreg:$0x1] =	wrdreg $0xFFFFFFFF  }
0xb5: {  	[dreg:$0x0] =	wrdreg $0x60  }
0xb6: {  	[dreg:$0x2] =	wrdreg s4  }
0xb7: {  	[dreg:$0x3] =	wrdreg s5  }
0xb8: {  	[dreg:$0x4] =	wrdreg s15  }
0xb9: {  	[dreg:$0x5] =	wrdreg s24  }
0xba: {  	[dreg:$0x6] =	wrdreg s16  }
0xbb: {  	[dreg:$0x7] =	wrdreg s17  }
0xbc: {  	[dreg:$0x8] =	wrdreg $0x9  }
0xbd: {  	_ =	task.clear_ibuf [dreg:s11], $0x9FFFF;
	_ =	strace $0x90000046  }
0xbe: {  	s29 =	simm.s32 $0x9;
	_ =	strace $0x80000048  }
0xbf: {  	_ =	swait.ge [sflag:s29], $0x1  }
0xc0: {  	[sflag:s29] =	ssyncadd.s32 $0xFFFFFFFF  }
0xc1: {  	_ =	strace $0x90000048  }
0xc2: {  	_ =	sfence  }
0xc3: {  	s30 =	sld [smem:$0x0];
	_ =	sdelay $0x2  }
0xc4: {  	s31 =	sshll.u32 s1, $0xD;
	s1 =	sshrl.u32 s1, $0x2  }
0xc5: {  	s3 =	sand.u32 $0x4000, s31;
	s1 =	sadd.s32 s1, s30  }
0xc6: {  	s0 =	sor.u32 s3, s0;
	s1 =	sshll.u32 s1, $0x11  }
0xc7: {  	s0 =	sor.u32 s1, s0  }
0xc8: {  	s0 =	sadd.s32 $0x8F2B, s0  }
0xc9: {  	[sflag:s0] =	ssyncadd.remote.s32 $0x1  }
0xca: {  	_ =	sfence.sel $0xFFFF  }
0xcb: {  	[dreg:$0x0] =	wrdreg $0xFFFFFFFF;
	(pc) =	sbr.abs _section_cstart, $3  }
0xcc: {  	[dreg:$0x1] =	wrdreg $0xFFFFFFFF  }
0xcd: {  	_ =	task.clear_ibuf [dreg:s11], $0x2FFFF;
	_ =	strace $0x9FFFFFFF  }
0xce: {  	(tm) =	ssettm $0x7FFFFFFF  }
0xcf: {  	_ =	shalt  }
tec
execute0_lowered:
.L_overlay_start_1:
0x0: {  	(tag) =	ssettag $0x1  }
0x1: {  	s2 =	rddreg [dreg:$0x1]  }
0x2: {  	s1 =	rddreg [dreg:$0x2]  }
0x3: {  	s3 =	rddreg [dreg:$0x3];
	s4 =	srdreg.scid  }
0x4: {  	s0 =	stileid.u32;
	s5 =	rddreg [dreg:$0x4]  }
0x5: {  	s8 =	rddreg [dreg:$0x5];
	s28 =	simm.s32 $0xC;
	s29 =	simm.s32 $0xD  }
0x6: {  	s31 =	simm.s32 $0xE;
	s30 =	simm.s32 $0x5;
	s6 =	sand.u32 $0x1, s4  }
0x7: {  	s14 =	sshll.u32 s0, $0x1;
	s4 =	simm.s32 $0x0;
	s19 =	smul.u32 $0x50000, s0  }
0x8: {  	s7 =	sor.u32 s6, s14;
	[smem:$0x7FF] =	sst s4;
	s10 =	ssub.s32 $0x2, s6  }
0x9: {  	s22 =	smul.u32 $0x28000, s6;
	s14 =	simm.s32 $0xF;
	s6 =	simm.s32 $0x8  }
0xa: {  	s9 =	smul.u32 $0x2800, s7;
	_ =	strace $0x80000047;
	s11 =	sshrl.u32 s10, $0x1  }
0xb: {  	s16 =	sshll.u32 s7, $0x6;
	s17 =	sshll.u32 s7, $0xD;
	s18 =	smul.u32 $0x28000, s7  }
0xc: {  	s15 =	ssub.s32 s10, s11;
	s1 =	sadd.s32 s1, s16;
	s5 =	sadd.s32 s5, s17  }
0xd: {  	s16 =	simm.s32 $0x80;
	s17 =	simm.s32 $0x2A00;
	s10 =	simm.s32 $0x0  }
0xe: {  	s9 =	sshrl.u32 s9, $0x3;
	[dreg:$0x7] =	wrdreg s1;
	s20 =	sadd.s32 $0x800, s5  }
0xf: {  	s21 =	sadd.s32 $0x1000, s5;
	[dreg:$0x9] =	wrdreg s5;
	s23 =	sadd.s32 $0x1800, s5  }
0x10: {  	s24 =	sadd.s32 s8, s18;
	s1 =	sadd.s32 s19, s8;
	[dreg:$0xa] =	wrdreg s20  }
0x11: {  	s25 =	smax.u32 s15, $0x1;
	s19 =	simm.s32 $0x6A00;
	[dreg:$0xb] =	wrdreg s21  }
0x12: {  	s18 =	simm.s32 $0x12A00;
	s8 =	simm.s32 $0x9;
	[dreg:$0xc] =	wrdreg s23  }
0x13: {  	s3 =	sadd.s32 s9, s3;
	[dreg:$0xd] =	wrdreg s25;
	s12 =	sadd.s32 $0x26800, s24  }
.Ltmp0:
0x14: {  	s1 =	sadd.s32 s22, s1;
	s21 =	simm.s32 $0xAA00;
	(pc) =	sbr.rel .LBB2_1-.Ltmp0, $4  }
0x15: {  	s23 =	simm.s32 $0xEA00;
	s24 =	simm.s32 $0x16A00;
	s25 =	simm.s32 $0x1AA00  }
0x16: {  	s20 =	simm.s32 $0x2;
	s22 =	simm.s32 $0x4;
	s3 =	sadd.s32 $0x800, s3  }
0x17: {  	s9 =	simm.s32 $0xA;
	s26 =	sadd.s32 $0x1000, s1;
	[dreg:$0x8] =	wrdreg s3  }
0x18: {  	s1 =	simm.s32 $0x1;
	[dreg:$0xe] =	wrdreg s26;
	s26 =	simm.s32 $0xB  }
.LBB2_3:
0x19: {  	_ =	swait.ge [sflag:s30], $0x4000  }
0x1a: {  	[sflag:s30] =	ssyncset.done $0x0  }
0x1b: {  	s0 =	sadd.s32 $0x1000, s13;
	[sflag:s30] =	ssyncadd.s32 $0xFFFFC000  }
0x1c: {  	[hbm4b:s0+s4] =	stream.linear.scatter [tilespmem:s18], [sflag:$0xA], $0x4000, $0x38;
	[tilespmem:$0x1EA00] =	vst v63  }
.LBB2_5:
0x1d: {  	s0 =	simm.s32 $0x6  }
0x1e: {  	_ =	swait.ge [sflag:s0], $0x4000  }
0x1f: {  	[sflag:s0] =	ssyncset.done $0x0  }
0x20: {  	s13 =	simm.s32 $0x7;
	[sflag:s0] =	ssyncadd.s32 $0xFFFFC000  }
0x21: {  	_ =	swait.ge [sflag:s13], $0x4000  }
0x22: {  	[sflag:s13] =	ssyncset.done $0x0  }
0x23: {  	[sflag:s13] =	ssyncadd.s32 $0xFFFFC000  }
0x24: {  	_ =	swait.ge [sflag:s6], $0x4000  }
0x25: {  	[sflag:s6] =	ssyncset.done $0x0  }
0x26: {  	[sflag:s6] =	ssyncadd.s32 $0xFFFFC000  }
0x27: {  	_ =	swait.ge [sflag:s8], $0x4000  }
0x28: {  	[sflag:s8] =	ssyncset.done $0x0  }
0x29: {  	[sflag:s8] =	ssyncadd.s32 $0xFFFFC000  }
0x2a: {  	_ =	swait.ge [sflag:s9], $0x4000  }
0x2b: {  	s10 =	sadd.s32 $0x1, s10;
	s15 =	rddreg [dreg:$0xd]  }
0x2c: {  	p0 =	sne.s32 s10, s15  }
.Ltmp1:
0x2d: {  	_ = 	snop;
	(pc) =	sbr.rel @!p0 .LBB2_6-.Ltmp1, $3  }
0x2e: {  	_ =	sdelay $0x1  }
0x2f: {  	[sflag:s9] =	ssyncset.done $0x0  }
0x30: {  	[sflag:s9] =	ssyncadd.s32 $0xFFFFC000  }
.LBB2_1:
0x31: {  	s0 =	rddreg [dreg:$0x7]  }
0x32: {  	[tilespmem:s4], [sflag:$0xF] =	stream.linear.gather [hbm4b:s0+s4], $0x200, $0x38;
	[tilespmem:$0x1EA00] =	vst v63  }
0x33: {  	_ =	swait.ge [sflag:s14], $0x200  }
0x34: {  	[sflag:s14] =	ssyncset.done $0x0  }
0x35: {  	s3 =	simm.s32 $0x200;
	s15 =	rddreg [dreg:$0x8];
	[sflag:s14] =	ssyncadd.s32 $0xFFFFFE00  }
0x36: {  	[tilespmem:s3], [sflag:$0xF] =	stream.linear.gather [hbm4b:s15+s4], $0x2800, $0x38;
	[tilespmem:$0x1EA00] =	vst v63  }
0x37: {  	_ =	swait.ge [sflag:s14], $0x2800  }
0x38: {  	[sflag:s14] =	ssyncset.done $0x0  }
0x39: {  	[sflag:s14] =	ssyncadd.s32 $0xFFFFD800  }
0x3a: {  	[tilespmem:s17], [sflag:$0x1] =	stream.indirect.gather [hbm4b:s2+s16], $0x80, s3, s16, $0xb8;
	[tilespmem:$0x1EA00] =	vst v63  }
0x3b: {  	s5 =	simm.s32 $0x280  }
0x3c: {  	[tilespmem:s19], [sflag:$0x2] =	stream.indirect.gather [hbm4b:s2+s16], $0x80, s5, s16, $0xb8;
	[tilespmem:$0x1EA00] =	vst v63  }
0x3d: {  	s7 =	simm.s32 $0x300  }
0x3e: {  	[tilespmem:s21], [sflag:$0x3] =	stream.indirect.gather [hbm4b:s2+s16], $0x80, s7, s16, $0xb8;
	[tilespmem:$0x1EA00] =	vst v63  }
0x3f: {  	s11 =	simm.s32 $0x380  }
0x40: {  	[tilespmem:s23], [sflag:$0x4] =	stream.indirect.gather [hbm4b:s2+s16], $0x80, s11, s16, $0xb8;
	[tilespmem:$0x1EA00] =	vst v63  }
0x41: {  	s13 =	rddreg [dreg:$0x0]  }
0x42: {  	[tilespmem:s24], [sflag:$0xB] =	stream.indirect.gather [hbm4b:s13+s16], $0x80, s4, s16, $0xb8;
	[tilespmem:$0x1EA00] =	vst v63  }
0x43: {  	_ = 	snop  }
0x44: {  	[tilespmem:s25], [sflag:$0xC] =	stream.indirect.gather [hbm4b:s13+s16], $0x80, s16, s16, $0xb8;
	[tilespmem:$0x1EA00] =	vst v63  }
0x45: {  	_ =	swait.ge [sflag:s26], $0x4000  }
0x46: {  	[sflag:s26] =	ssyncset.done $0x0  }
0x47: {  	s15 =	rddreg [dreg:$0x9];
	[sflag:s26] =	ssyncadd.s32 $0xFFFFC000  }
0x48: {  	[hbm4b:s15+s4] =	stream.linear.scatter [tilespmem:s24], [sflag:$0xD], $0x4000, $0x38;
	[tilespmem:$0x1EA00] =	vst v63  }
0x49: {  	_ =	swait.ge [sflag:s28], $0x4000  }
0x4a: {  	[sflag:s28] =	ssyncset.done $0x0  }
0x4b: {  	s5 =	rddreg [dreg:$0xa];
	[sflag:s28] =	ssyncadd.s32 $0xFFFFC000  }
0x4c: {  	[hbm4b:s5+s4] =	stream.linear.scatter [tilespmem:s25], [sflag:$0xE], $0x4000, $0x38;
	[tilespmem:$0x1EA00] =	vst v63  }
0x4d: {  	_ =	swait.ge [sflag:s29], $0x4000  }
0x4e: {  	[sflag:s29] =	ssyncset.done $0x0  }
0x4f: {  	s7 =	simm.s32 $0x100;
	[sflag:s29] =	ssyncadd.s32 $0xFFFFC000  }
0x50: {  	[tilespmem:s24], [sflag:$0xB] =	stream.indirect.gather [hbm4b:s13+s16], $0x80, s7, s16, $0xb8;
	[tilespmem:$0x1EA00] =	vst v63  }
0x51: {  	_ =	swait.ge [sflag:s31], $0x4000  }
0x52: {  	[sflag:s31] =	ssyncset.done $0x0  }
0x53: {  	s11 =	simm.s32 $0x180;
	[sflag:s31] =	ssyncadd.s32 $0xFFFFC000  }
0x54: {  	[tilespmem:s25], [sflag:$0xC] =	stream.indirect.gather [hbm4b:s13+s16], $0x80, s11, s16, $0xb8;
	[tilespmem:$0x1EA00] =	vst v63  }
0x55: {  	_ =	swait.ge [sflag:s26], $0x4000  }
0x56: {  	[sflag:s26] =	ssyncset.done $0x0  }
0x57: {  	s13 =	rddreg [dreg:$0xb];
	[sflag:s26] =	ssyncadd.s32 $0xFFFFC000  }
0x58: {  	[hbm4b:s13+s4] =	stream.linear.scatter [tilespmem:s24], [sflag:$0xD], $0x4000, $0x38;
	[tilespmem:$0x1EA00] =	vst v63  }
0x59: {  	_ =	swait.ge [sflag:s28], $0x4000  }
0x5a: {  	[sflag:s28] =	ssyncset.done $0x0  }
0x5b: {  	s15 =	rddreg [dreg:$0xc];
	[sflag:s28] =	ssyncadd.s32 $0xFFFFC000  }
0x5c: {  	[hbm4b:s15+s4] =	stream.linear.scatter [tilespmem:s25], [sflag:$0xE], $0x4000, $0x38;
	[tilespmem:$0x1EA00] =	vst v63  }
0x5d: {  	_ =	swait.ge [sflag:s29], $0x4000  }
0x5e: {  	[sflag:s29] =	ssyncset.done $0x0  }
0x5f: {  	[sflag:s29] =	ssyncadd.s32 $0xFFFFC000  }
0x60: {  	_ =	swait.ge [sflag:s31], $0x4000  }
0x61: {  	[sflag:s31] =	ssyncset.done $0x0  }
0x62: {  	s15 =	simm.s32 $0x0;
	s13 =	rddreg [dreg:$0xe];
	[sflag:s31] =	ssyncadd.s32 $0xFFFFC000  }
.LBB2_2:
0x63: {  	_ =	swait.ge [sflag:s1], $0x4000  }
0x64: {  	p0 =	seq.s32 s15, $0x0;
	[sflag:s1] =	ssyncset.done $0x0  }
0x65: {  	s11 =	sadd.s32 $0xFFFFF000, s13;
	s7 =	simm.s32 @!p0 $0xA;
	[sflag:s1] =	ssyncadd.s32 $0xFFFFC000  }
0x66: {  	[hbm4b:s11+s4] =	stream.linear.scatter [tilespmem:s17], [sflag:$0x6], $0x4000, $0x38;
	[tilespmem:$0x1EA00] =	vst v63  }
0x67: {  	_ =	swait.ge @!p0 [sflag:s7], $0x4000  }
0x68: {  	s11 =	sshra.s32 s15, $0x2;
	[sflag:s7] =	ssyncset.done @!p0 $0x0  }
0x69: {  	s3 =	sadd.s32 $0x400, s11;
	[sflag:s7] =	ssyncadd.s32 @!p0 $0xFFFFC000  }
0x6a: {  	[tilespmem:s18], [sflag:$0x5] =	stream.indirect.gather [hbm4b:s2+s16], $0x80, s3, s16, $0xb8;
	[tilespmem:$0x1EA00] =	vst v63  }
0x6b: {  	_ =	swait.ge [sflag:s20], $0x4000  }
0x6c: {  	p0 =	seq.s32 s15, $0x9600;
	[sflag:s20] =	ssyncset.done $0x0  }
0x6d: {  	s5 =	sadd.s32 $0xFFFFF800, s13;
	s7 =	simm.s32 @p0 $0x3;
	[sflag:s20] =	ssyncadd.s32 $0xFFFFC000  }
0x6e: {  	[hbm4b:s5+s4] =	stream.linear.scatter [tilespmem:s19], [sflag:$0x7], $0x4000, $0x38;
	[tilespmem:$0x1EA00] =	vst v63  }
0x6f: {  	_ =	swait.ge @p0 [sflag:s7], $0x4000  }
0x70: {  	[sflag:s7] =	ssyncset.done @p0 $0x0  }
0x71: {  	s0 =	simm.s32 @p0 $0xAA00;
	[sflag:s7] =	ssyncadd.s32 @p0 $0xFFFFC000;
	s7 =	simm.s32 @p0 $0x0  }
0x72: {  	[hbm4b:s12+s7] =	stream.linear.scatter @p0 [tilespmem:s0], [sflag:$0x8], $0x4000, $0x38;
	[tilespmem:$0x1EA00] =	vst v63  }
0x73: {  	s0 =	simm.s32 @!p0 $0x6  }
0x74: {  	_ =	swait.ge @!p0 [sflag:s0], $0x4000  }
0x75: {  	[sflag:s0] =	ssyncset.done @!p0 $0x0  }
0x76: {  	[sflag:s0] =	ssyncadd.s32 @!p0 $0xFFFFC000;
	s0 =	sshra.s32 @!p0 s15, $0x2  }
0x77: {  	s3 =	simm.s32 @!p0 $0x80;
	s5 =	simm.s32 @!p0 $0x2A00;
	s7 =	sadd.s32 @!p0 $0x480, s0  }
0x78: {  	[tilespmem:s5], [sflag:$0x1] =	stream.indirect.gather @!p0 [hbm4b:s2+s3], $0x80, s7, s3, $0xb8;
	[tilespmem:$0x1EA00] =	vst v63  }
0x79: {  	s5 =	simm.s32 @!p0 $0x3  }
0x7a: {  	_ =	swait.ge @!p0 [sflag:s5], $0x4000  }
0x7b: {  	[sflag:s5] =	ssyncset.done @!p0 $0x0  }
0x7c: {  	s7 =	simm.s32 @!p0 $0xAA00;
	[sflag:s5] =	ssyncadd.s32 @!p0 $0xFFFFC000;
	s5 =	simm.s32 @!p0 $0x0  }
0x7d: {  	[hbm4b:s13+s5] =	stream.linear.scatter @!p0 [tilespmem:s7], [sflag:$0x8], $0x4000, $0x38;
	[tilespmem:$0x1EA00] =	vst v63  }
0x7e: {  	s5 =	simm.s32 @!p0 $0x7  }
0x7f: {  	_ =	swait.ge @!p0 [sflag:s5], $0x4000  }
0x80: {  	[sflag:s5] =	ssyncset.done @!p0 $0x0  }
0x81: {  	s0 =	sadd.s32 @!p0 $0x500, s0;
	[sflag:s5] =	ssyncadd.s32 @!p0 $0xFFFFC000;
	s5 =	simm.s32 @!p0 $0x6A00  }
0x82: {  	[tilespmem:s5], [sflag:$0x2] =	stream.indirect.gather @!p0 [hbm4b:s2+s3], $0x80, s0, s3, $0xb8;
	[tilespmem:$0x1EA00] =	vst v63  }
0x83: {  	p0 =	sne.s32 s15, $0x9600  }
.Ltmp2:
0x84: {  	_ = 	snop;
	(pc) =	sbr.rel @!p0 .LBB2_3-.Ltmp2, $4  }
0x85: {  	_ =	swait.ge [sflag:s22], $0x4000  }
0x86: {  	[sflag:s22] =	ssyncset.done $0x0  }
0x87: {  	s7 =	sadd.s32 $0x800, s13;
	[sflag:s22] =	ssyncadd.s32 $0xFFFFC000  }
0x88: {  	[hbm4b:s7+s4] =	stream.linear.scatter [tilespmem:s23], [sflag:$0x9], $0x4000, $0x38;
	[tilespmem:$0x1EA00] =	vst v63  }
0x89: {  	_ =	swait.ge [sflag:s6], $0x4000  }
0x8a: {  	[sflag:s6] =	ssyncset.done $0x0  }
0x8b: {  	s0 =	sadd.s32 $0x580, s11;
	[sflag:s6] =	ssyncadd.s32 $0xFFFFC000  }
0x8c: {  	[tilespmem:s21], [sflag:$0x3] =	stream.indirect.gather [hbm4b:s2+s16], $0x80, s0, s16, $0xb8;
	[tilespmem:$0x1EA00] =	vst v63  }
0x8d: {  	_ =	swait.ge [sflag:s30], $0x4000  }
0x8e: {  	s15 =	sadd.s32 $0xA00, s15;
	[sflag:s30] =	ssyncset.done $0x0  }
0x8f: {  	s7 =	sadd.s32 $0x1000, s13;
	p0 =	sne.s32 s15, $0xA000;
	[sflag:s30] =	ssyncadd.s32 $0xFFFFC000  }
0x90: {  	[hbm4b:s7+s4] =	stream.linear.scatter [tilespmem:s18], [sflag:$0xA], $0x4000, $0x38;
	[tilespmem:$0x1EA00] =	vst v63  }
.Ltmp3:
0x91: {  	_ = 	snop;
	(pc) =	sbr.rel @p0 .LBB2_2-.Ltmp3, $4  }
.Ltmp4:
0x92: {  	_ =	swait.ge [sflag:s8], $0x4000;
	(pc) =	sbr.rel @!p0 .LBB2_5-.Ltmp4, $4  }
0x93: {  	[sflag:s8] =	ssyncset.done $0x0  }
0x94: {  	s11 =	sadd.s32 $0x600, s11;
	s13 =	sadd.s32 $0x2800, s13;
	[sflag:s8] =	ssyncadd.s32 $0xFFFFC000  }
0x95: {  	[tilespmem:s23], [sflag:$0x4] =	stream.indirect.gather [hbm4b:s2+s16], $0x80, s11, s16, $0xb8;
	[tilespmem:$0x1EA00] =	vst v63  }
0x96: {  	_ = 	snop  }
.LBB2_6:
0x97: {  	_ =	sfence.sel $0x180000  }
0x98: {  	[bflag:$0x0] =	sbarrier.arrive $0xFFFF  }
0x99: {  	_ =	strace $0x90000047  }
0x9a: {  	s0 =	stileid.u32;
	[bflag:$0x2] =	sbarrier.arrive $0xFFFF  }
0x9b: {  	p0 =	sne.s32 s0, $0x0;
	s0 =	rddreg [dreg:$0x6]  }
0x9c: {  	s0 =	sadd.s32 @!p0 $0x100000, s0  }
0x9d: {  	[sflag:s0] =	ssyncadd.tile.s32 @!p0 $0x1;
	_ =	shalt  }
.Lfunc_end2:
_tile_overlayer_lowered:
.L_overlay_start_2:
0x9e: {  	(tag) =	ssettag $0x2  }
0x9f: {  	s0 =	rddreg [dreg:$0x0];
	s2 =	stileid.u32  }
0xa0: {  	s1 =	rddreg [dreg:$0x1];
	p0 =	sne.s32 s2, $0x0  }
0xa1: {  	s3 =	rddreg [dreg:$0x2];
	[bflag:$0x3] =	sbarrier.arrive $0xFFFF;
	s2 =	simm.s32 @!p0 $0x1C0F  }
0xa2: {  	[timem:s3], [sflag:s2] =	dma.local @!p0 [hbm:s0], s1  }
0xa3: {  	s0 =	simm.s32 @!p0 $0xF  }
0xa4: {  	_ =	swait.ge @!p0 [sflag:s0], s1  }
0xa5: {  	s1 =	ssub.s32 @!p0 $0x0, s1;
	[sflag:s0] =	ssyncset.done @!p0 $0x0  }
0xa6: {  	[sflag:s0] =	ssyncadd.s32 @!p0 s1  }
0xa7: {  	[bflag:$0x3] =	sbarrier.arrive $0xFFFF  }
0xa8: {  	_ =	shalt  }

</sc_bundles>
